<compile_context>
chip_gen: v7x
topology: tpu7x:2x2x1
jax: 0.10.2.dev20260603
libtpu: 0.0.44.dev20260713+nightly
codegen_flags: <defaults>
</compile_context>

<pallas_src>
import functools

import jax
import jax.numpy as jnp
from jax import lax
from jax.experimental import pallas as pl
from jax.experimental.pallas import tpu as pltpu
from jax.experimental.pallas import tpu_sc as plsc

_B = 16384
_EMB = 64
_NC = 2
_NS = 16
_NW = _NC * _NS
_BPW = _B // _NW
_ICHUNK = 128
_NCH = _BPW // _ICHUNK
_RING = 4
_NGRP = _BPW // _RING


def _emb_body(uidx_hbm, bidx_hbm, uemb_t, bemb_t, ubias_t, bbias_t,
              part_out, bias_out,
              idx_u_v, idx_b_v, u_bufs, b_bufs, ub_bufs, bb_bufs,
              bias_v, acc_v, usems, bsems, ubsems, bbsems):
    wid = lax.axis_index("s") * _NC + lax.axis_index("c")
    base = wid * _BPW

    for c in range(_NCH):
        pltpu.sync_copy(uidx_hbm.at[pl.ds(base + c * _ICHUNK, _ICHUNK)],
                        idx_u_v.at[pl.ds(c * _ICHUNK, _ICHUNK)])
        pltpu.sync_copy(bidx_hbm.at[pl.ds(base + c * _ICHUNK, _ICHUNK)],
                        idx_b_v.at[pl.ds(c * _ICHUNK, _ICHUNK)])

    def getid(idx_ref, e):
        return idx_ref[pl.ds(e, 16)][0]

    def win(idx_ref, e):
        i = getid(idx_ref, e)
        return pl.multiple_of((i >> 7) << 7, 128)

    def fire(g, b):
        e = g * _RING + b
        wu, wb = win(idx_u_v, e), win(idx_b_v, e)
        pltpu.async_copy(uemb_t.at[:, pl.ds(wu, 128)], u_bufs[b], usems[b])
        pltpu.async_copy(bemb_t.at[:, pl.ds(wb, 128)], b_bufs[b], bsems[b])
        pltpu.async_copy(ubias_t.at[:, pl.ds(wu, 128)], ub_bufs[b], ubsems[b])
        pltpu.async_copy(bbias_t.at[:, pl.ds(wb, 128)], bb_bufs[b], bbsems[b])

    for b in range(_RING):
        fire(0, b)

    zero = jnp.zeros((16,), jnp.float32)
    zrow = jnp.zeros((16,), jnp.int32)
    jvecs = [lax.iota(jnp.int32, 16) + 16 * c for c in range(4)]

    def group(g, accs):
        accs = list(accs)
        for b in range(_RING):
            pltpu.make_async_copy(uemb_t.at[:, pl.ds(0, 128)],
                                  u_bufs[b], usems[b]).wait()
            pltpu.make_async_copy(bemb_t.at[:, pl.ds(0, 128)],
                                  b_bufs[b], bsems[b]).wait()
            pltpu.make_async_copy(ubias_t.at[:, pl.ds(0, 128)],
                                  ub_bufs[b], ubsems[b]).wait()
            pltpu.make_async_copy(bbias_t.at[:, pl.ds(0, 128)],
                                  bb_bufs[b], bbsems[b]).wait()
            e = g * _RING + b
            lu = jnp.broadcast_to(getid(idx_u_v, e) & 127, (16,))
            lb = jnp.broadcast_to(getid(idx_b_v, e) & 127, (16,))
            for c in range(4):
                uv = plsc.load_gather(u_bufs[b], [jvecs[c], lu])
                bv = plsc.load_gather(b_bufs[b], [jvecs[c], lb])
                accs[c] = accs[c] + uv * bv
            bu = plsc.load_gather(ub_bufs[b], [zrow, lu])
            bb2 = plsc.load_gather(bb_bufs[b], [zrow, lb])
            plsc.store_scatter(bias_v, [jnp.broadcast_to(e, (16,))],
                               bu + bb2)

            @pl.when(g < _NGRP - 1)
            def _():
                fire(g + 1, b)

        return tuple(accs)

    a0, a1, a2, a3 = lax.fori_loop(0, _NGRP, group,
                                   (zero, zero, zero, zero))
    acc_v[0, :] = (a0 + a1) + (a2 + a3)
    pltpu.sync_copy(acc_v, part_out.at[pl.ds(wid, 1), :])
    pltpu.sync_copy(bias_v, bias_out.at[pl.ds(base, _BPW)])


@functools.partial(
    pl.kernel,
    out_type=[jax.ShapeDtypeStruct((_NW, 16), jnp.float32),
              jax.ShapeDtypeStruct((_B,), jnp.float32)],
    mesh=plsc.VectorSubcoreMesh(core_axis_name="c", subcore_axis_name="s"),
    compiler_params=pltpu.CompilerParams(use_tc_tiling_on_sc=True,
                                         needs_layout_passes=False),
    scratch_types=(
        [pltpu.VMEM((_BPW + 16,), jnp.int32)] * 2
        + [pltpu.VMEM((_EMB, 128), jnp.float32)] * (2 * _RING)
        + [pltpu.VMEM((1, 128), jnp.float32)] * (2 * _RING)
        + [pltpu.VMEM((_BPW,), jnp.float32)]
        + [pltpu.VMEM((1, 16), jnp.float32)]
        + [pltpu.SemaphoreType.DMA] * (4 * _RING)
    ),
)
def _emb_call(uidx_hbm, bidx_hbm, uemb_t, bemb_t, ubias_t, bbias_t,
              part_out, bias_out, *scratch):
    k = 2
    idx_u_v, idx_b_v = scratch[0], scratch[1]
    u_bufs = scratch[k:k + _RING]
    b_bufs = scratch[k + _RING:k + 2 * _RING]
    ub_bufs = scratch[k + 2 * _RING:k + 3 * _RING]
    bb_bufs = scratch[k + 3 * _RING:k + 4 * _RING]
    bias_v = scratch[k + 4 * _RING]
    acc_v = scratch[k + 4 * _RING + 1]
    sems = scratch[k + 4 * _RING + 2:]
    usems = sems[0:_RING]
    bsems = sems[_RING:2 * _RING]
    ubsems = sems[2 * _RING:3 * _RING]
    bbsems = sems[3 * _RING:4 * _RING]
    _emb_body(uidx_hbm, bidx_hbm, uemb_t, bemb_t, ubias_t, bbias_t,
              part_out, bias_out,
              idx_u_v, idx_b_v, u_bufs, b_bufs, ub_bufs, bb_bufs,
              bias_v, acc_v, usems, bsems, ubsems, bbsems)


def _tc_body(part_ref, bias_ref, out_ref):
    s = jnp.sum(part_ref[...])
    out_ref[...] = jax.nn.sigmoid(bias_ref[...] + s)


_tc_call = pl.pallas_call(
    _tc_body,
    out_shape=jax.ShapeDtypeStruct((128, 128), jnp.float32),
)


def kernel(inputs, user_embedding, user_bias, book_embedding, book_bias):
    u_idx = inputs[:, 0]
    b_idx = inputs[:, 1]
    part, bias = _emb_call(u_idx, b_idx, user_embedding.T, book_embedding.T,
                           user_bias.T, book_bias.T)
    y = _tc_call(part, bias.reshape(128, 128))
    return y.reshape(_B, 1)

# --- scband reference (transcript-rebuilt; emitter-appended) ---
"""Pipeline reference for scband-recommender-net-44341242364226 (READ-ONLY COPY).

The authoritative reference and input builder live on the scoring server;
editing this copy changes nothing except your own understanding.
"""

import jax, jax.numpy as jnp
import numpy as np

B = 16384
NUM_USERS = 1000000
NUM_BOOKS = 1000000
EMB = 64


def setup_inputs(seed: int = 0) -> dict:
    key = jax.random.key(seed)
    k1, k2, k3, k4, k5 = jax.random.split(key, 5)
    inputs = jax.random.randint(k1, (B, 2), 0, NUM_USERS, dtype=jnp.int32)
    # he_normal: stddev = sqrt(2 / fan_in); Keras Embedding uses fan_in = num_rows
    user_embedding = jax.random.normal(k2, (NUM_USERS, EMB), dtype=jnp.float32) * np.sqrt(2.0 / NUM_USERS)
    user_bias = jnp.zeros((NUM_USERS, 1), dtype=jnp.float32)
    book_embedding = jax.random.normal(k3, (NUM_BOOKS, EMB), dtype=jnp.float32) * np.sqrt(2.0 / NUM_BOOKS)
    book_bias = jnp.zeros((NUM_BOOKS, 1), dtype=jnp.float32)
    return {
        "inputs": inputs,
        "user_embedding": user_embedding,
        "user_bias": user_bias,
        "book_embedding": book_embedding,
        "book_bias": book_bias,
    }


def reference(inputs, user_embedding, user_bias, book_embedding, book_bias):
    u_idx = inputs[:, 0]
    b_idx = inputs[:, 1]
    user_vector = jnp.take(user_embedding, u_idx, axis=0)   # [B, EMB]
    u_bias = jnp.take(user_bias, u_idx, axis=0)             # [B, 1]
    book_vector = jnp.take(book_embedding, b_idx, axis=0)   # [B, EMB]
    b_bias = jnp.take(book_bias, b_idx, axis=0)             # [B, 1]
    # tf.tensordot(a, b, axes=2) contracts both axes -> scalar (faithful to original)
    dot_user_book = jnp.tensordot(user_vector, book_vector, axes=2)  # scalar
    x = dot_user_book + u_bias + b_bias                      # [B, 1] via broadcast
    return jax.nn.sigmoid(x)

if __name__ == "__main__":
    import jax
    _d = setup_inputs()
    print(jax.jit(kernel)(*tuple(_d.values())))

</pallas_src>

<mosaic_0001>
#map = affine_map<(d0, d1) -> (0)>
#map1 = affine_map<(d0, d1) -> (0, 0)>
module attributes {stable_mosaic.version = 14 : i64} {
  func.func @_emb_call(%arg0: i32, %arg1: i32, %arg2: memref<16384xi32, #tpu.memory_space<hbm>>, %arg3: memref<16384xi32, #tpu.memory_space<hbm>>, %arg4: memref<64x1000000xf32, #tpu.memory_space<hbm>>, %arg5: memref<64x1000000xf32, #tpu.memory_space<hbm>>, %arg6: memref<1x1000000xf32, #tpu.memory_space<hbm>>, %arg7: memref<1x1000000xf32, #tpu.memory_space<hbm>>, %arg8: memref<32x16xf32, #tpu.memory_space<hbm>>, %arg9: memref<16384xf32, #tpu.memory_space<hbm>>, %arg10: memref<528xi32, #tpu.memory_space<vmem>>, %arg11: memref<528xi32, #tpu.memory_space<vmem>>, %arg12: memref<64x128xf32, #tpu.memory_space<vmem>>, %arg13: memref<64x128xf32, #tpu.memory_space<vmem>>, %arg14: memref<64x128xf32, #tpu.memory_space<vmem>>, %arg15: memref<64x128xf32, #tpu.memory_space<vmem>>, %arg16: memref<64x128xf32, #tpu.memory_space<vmem>>, %arg17: memref<64x128xf32, #tpu.memory_space<vmem>>, %arg18: memref<64x128xf32, #tpu.memory_space<vmem>>, %arg19: memref<64x128xf32, #tpu.memory_space<vmem>>, %arg20: memref<1x128xf32, #tpu.memory_space<vmem>>, %arg21: memref<1x128xf32, #tpu.memory_space<vmem>>, %arg22: memref<1x128xf32, #tpu.memory_space<vmem>>, %arg23: memref<1x128xf32, #tpu.memory_space<vmem>>, %arg24: memref<1x128xf32, #tpu.memory_space<vmem>>, %arg25: memref<1x128xf32, #tpu.memory_space<vmem>>, %arg26: memref<1x128xf32, #tpu.memory_space<vmem>>, %arg27: memref<1x128xf32, #tpu.memory_space<vmem>>, %arg28: memref<512xf32, #tpu.memory_space<vmem>>, %arg29: memref<1x16xf32, #tpu.memory_space<vmem>>, %arg30: memref<!tpu.dma_semaphore, #tpu.memory_space<semaphore_mem>>, %arg31: memref<!tpu.dma_semaphore, #tpu.memory_space<semaphore_mem>>, %arg32: memref<!tpu.dma_semaphore, #tpu.memory_space<semaphore_mem>>, %arg33: memref<!tpu.dma_semaphore, #tpu.memory_space<semaphore_mem>>, %arg34: memref<!tpu.dma_semaphore, #tpu.memory_space<semaphore_mem>>, %arg35: memref<!tpu.dma_semaphore, #tpu.memory_space<semaphore_mem>>, %arg36: memref<!tpu.dma_semaphore, #tpu.memory_space<semaphore_mem>>, %arg37: memref<!tpu.dma_semaphore, #tpu.memory_space<semaphore_mem>>, %arg38: memref<!tpu.dma_semaphore, #tpu.memory_space<semaphore_mem>>, %arg39: memref<!tpu.dma_semaphore, #tpu.memory_space<semaphore_mem>>, %arg40: memref<!tpu.dma_semaphore, #tpu.memory_space<semaphore_mem>>, %arg41: memref<!tpu.dma_semaphore, #tpu.memory_space<semaphore_mem>>, %arg42: memref<!tpu.dma_semaphore, #tpu.memory_space<semaphore_mem>>, %arg43: memref<!tpu.dma_semaphore, #tpu.memory_space<semaphore_mem>>, %arg44: memref<!tpu.dma_semaphore, #tpu.memory_space<semaphore_mem>>, %arg45: memref<!tpu.dma_semaphore, #tpu.memory_space<semaphore_mem>>) attributes {dimension_semantics = [#tpu.dimension_semantics<core_parallel>, #tpu.dimension_semantics<subcore_parallel>], iteration_bounds = array<i64: 2, 16>, scalar_prefetch = 0 : i64, scratch_operands = 36 : i64, tpu.core_type = #tpu.core_type<sc_vector_subcore>, window_params = [{transform_indices = #map}, {transform_indices = #map}, {transform_indices = #map1}, {transform_indices = #map1}, {transform_indices = #map1}, {transform_indices = #map1}, {transform_indices = #map1}, {transform_indices = #map}]} {
    %mul3A = arith.constant 2 : i32
    %mul3A_0 = arith.muli %arg1, %mul3A : i32
    %add3A = arith.addi %mul3A_0, %arg0 : i32
    %mul3A_1 = arith.constant 512 : i32
    %mul3A_2 = arith.muli %add3A, %mul3A_1 : i32
    %add3A_3 = arith.constant 0 : i32
    %add3A_4 = arith.addi %mul3A_2, %add3A_3 : i32
    "tpu.region"() ({
      %run_scoped3A = tpu.sem_alloc : memref<!tpu.dma_semaphore, #tpu.memory_space<semaphore_mem>>
      %dma_start3A_177 = arith.constant 0 : i32
      %dma_start3A_178 = tpu.memref_slice %arg10[%dma_start3A_177] : memref<528xi32, #tpu.memory_space<vmem>> -> memref<128xi32, #tpu.memory_space<vmem>>
      %dma_start3A_179 = tpu.memref_slice %arg2[%add3A_4] : memref<16384xi32, #tpu.memory_space<hbm>> -> memref<128xi32, #tpu.memory_space<hbm>>
      %dma_start3A_180 = arith.constant 0 : i32
      %dma_start3A_181 = tpu.memref_slice %arg10[%dma_start3A_180] : memref<528xi32, #tpu.memory_space<vmem>> -> memref<128xi32, #tpu.memory_space<vmem>>
      %dma_start3A_182 = tpu.memref_slice %arg2[%add3A_4] : memref<16384xi32, #tpu.memory_space<hbm>> -> memref<128xi32, #tpu.memory_space<hbm>>
      tpu.enqueue_dma source(%dma_start3A_182 : memref<128xi32, #tpu.memory_space<hbm>>) target(%dma_start3A_181 : memref<128xi32, #tpu.memory_space<vmem>>) target_semaphore(%run_scoped3A : memref<!tpu.dma_semaphore, #tpu.memory_space<semaphore_mem>>)
      %dma_wait3A = arith.constant 0 : i32
      %dma_wait3A_183 = tpu.memref_slice %arg10[%dma_wait3A] : memref<528xi32, #tpu.memory_space<vmem>> -> memref<128xi32, #tpu.memory_space<vmem>>
      %dma_wait3A_184 = tpu.memref_slice %arg2[%add3A_4] : memref<16384xi32, #tpu.memory_space<hbm>> -> memref<128xi32, #tpu.memory_space<hbm>>
      %dma_wait3A_185 = arith.constant 0 : i32
      %dma_wait3A_186 = tpu.memref_slice %arg10[%dma_wait3A_185] : memref<528xi32, #tpu.memory_space<vmem>> -> memref<128xi32, #tpu.memory_space<vmem>>
      %dma_wait3A_187 = tpu.memref_slice %arg2[%add3A_4] : memref<16384xi32, #tpu.memory_space<hbm>> -> memref<128xi32, #tpu.memory_space<hbm>>
      tpu.wait_dma2 semaphore(%run_scoped3A : memref<!tpu.dma_semaphore, #tpu.memory_space<semaphore_mem>>) src(%dma_wait3A_187 : memref<128xi32, #tpu.memory_space<hbm>>) dst(%dma_wait3A_186 : memref<128xi32, #tpu.memory_space<vmem>>)
      tpu.yield
    }) : () -> ()
    %add3A_5 = arith.constant 0 : i32
    %add3A_6 = arith.addi %mul3A_2, %add3A_5 : i32
    "tpu.region"() ({
      %run_scoped3A = tpu.sem_alloc : memref<!tpu.dma_semaphore, #tpu.memory_space<semaphore_mem>>
      %dma_start3A_177 = arith.constant 0 : i32
      %dma_start3A_178 = tpu.memref_slice %arg11[%dma_start3A_177] : memref<528xi32, #tpu.memory_space<vmem>> -> memref<128xi32, #tpu.memory_space<vmem>>
      %dma_start3A_179 = tpu.memref_slice %arg3[%add3A_6] : memref<16384xi32, #tpu.memory_space<hbm>> -> memref<128xi32, #tpu.memory_space<hbm>>
      %dma_start3A_180 = arith.constant 0 : i32
      %dma_start3A_181 = tpu.memref_slice %arg11[%dma_start3A_180] : memref<528xi32, #tpu.memory_space<vmem>> -> memref<128xi32, #tpu.memory_space<vmem>>
      %dma_start3A_182 = tpu.memref_slice %arg3[%add3A_6] : memref<16384xi32, #tpu.memory_space<hbm>> -> memref<128xi32, #tpu.memory_space<hbm>>
      tpu.enqueue_dma source(%dma_start3A_182 : memref<128xi32, #tpu.memory_space<hbm>>) target(%dma_start3A_181 : memref<128xi32, #tpu.memory_space<vmem>>) target_semaphore(%run_scoped3A : memref<!tpu.dma_semaphore, #tpu.memory_space<semaphore_mem>>)
      %dma_wait3A = arith.constant 0 : i32
      %dma_wait3A_183 = tpu.memref_slice %arg11[%dma_wait3A] : memref<528xi32, #tpu.memory_space<vmem>> -> memref<128xi32, #tpu.memory_space<vmem>>
      %dma_wait3A_184 = tpu.memref_slice %arg3[%add3A_6] : memref<16384xi32, #tpu.memory_space<hbm>> -> memref<128xi32, #tpu.memory_space<hbm>>
      %dma_wait3A_185 = arith.constant 0 : i32
      %dma_wait3A_186 = tpu.memref_slice %arg11[%dma_wait3A_185] : memref<528xi32, #tpu.memory_space<vmem>> -> memref<128xi32, #tpu.memory_space<vmem>>
      %dma_wait3A_187 = tpu.memref_slice %arg3[%add3A_6] : memref<16384xi32, #tpu.memory_space<hbm>> -> memref<128xi32, #tpu.memory_space<hbm>>
      tpu.wait_dma2 semaphore(%run_scoped3A : memref<!tpu.dma_semaphore, #tpu.memory_space<semaphore_mem>>) src(%dma_wait3A_187 : memref<128xi32, #tpu.memory_space<hbm>>) dst(%dma_wait3A_186 : memref<128xi32, #tpu.memory_space<vmem>>)
      tpu.yield
    }) : () -> ()
    %add3A_7 = arith.constant 128 : i32
    %add3A_8 = arith.addi %mul3A_2, %add3A_7 : i32
    "tpu.region"() ({
      %run_scoped3A = tpu.sem_alloc : memref<!tpu.dma_semaphore, #tpu.memory_space<semaphore_mem>>
      %dma_start3A_177 = arith.constant 128 : i32
      %dma_start3A_178 = tpu.memref_slice %arg10[%dma_start3A_177] : memref<528xi32, #tpu.memory_space<vmem>> -> memref<128xi32, #tpu.memory_space<vmem>>
      %dma_start3A_179 = tpu.memref_slice %arg2[%add3A_8] : memref<16384xi32, #tpu.memory_space<hbm>> -> memref<128xi32, #tpu.memory_space<hbm>>
      %dma_start3A_180 = arith.constant 128 : i32
      %dma_start3A_181 = tpu.memref_slice %arg10[%dma_start3A_180] : memref<528xi32, #tpu.memory_space<vmem>> -> memref<128xi32, #tpu.memory_space<vmem>>
      %dma_start3A_182 = tpu.memref_slice %arg2[%add3A_8] : memref<16384xi32, #tpu.memory_space<hbm>> -> memref<128xi32, #tpu.memory_space<hbm>>
      tpu.enqueue_dma source(%dma_start3A_182 : memref<128xi32, #tpu.memory_space<hbm>>) target(%dma_start3A_181 : memref<128xi32, #tpu.memory_space<vmem>>) target_semaphore(%run_scoped3A : memref<!tpu.dma_semaphore, #tpu.memory_space<semaphore_mem>>)
      %dma_wait3A = arith.constant 128 : i32
      %dma_wait3A_183 = tpu.memref_slice %arg10[%dma_wait3A] : memref<528xi32, #tpu.memory_space<vmem>> -> memref<128xi32, #tpu.memory_space<vmem>>
      %dma_wait3A_184 = tpu.memref_slice %arg2[%add3A_8] : memref<16384xi32, #tpu.memory_space<hbm>> -> memref<128xi32, #tpu.memory_space<hbm>>
      %dma_wait3A_185 = arith.constant 128 : i32
      %dma_wait3A_186 = tpu.memref_slice %arg10[%dma_wait3A_185] : memref<528xi32, #tpu.memory_space<vmem>> -> memref<128xi32, #tpu.memory_space<vmem>>
      %dma_wait3A_187 = tpu.memref_slice %arg2[%add3A_8] : memref<16384xi32, #tpu.memory_space<hbm>> -> memref<128xi32, #tpu.memory_space<hbm>>
      tpu.wait_dma2 semaphore(%run_scoped3A : memref<!tpu.dma_semaphore, #tpu.memory_space<semaphore_mem>>) src(%dma_wait3A_187 : memref<128xi32, #tpu.memory_space<hbm>>) dst(%dma_wait3A_186 : memref<128xi32, #tpu.memory_space<vmem>>)
      tpu.yield
    }) : () -> ()
    %add3A_9 = arith.constant 128 : i32
    %add3A_10 = arith.addi %mul3A_2, %add3A_9 : i32
    "tpu.region"() ({
      %run_scoped3A = tpu.sem_alloc : memref<!tpu.dma_semaphore, #tpu.memory_space<semaphore_mem>>
      %dma_start3A_177 = arith.constant 128 : i32
      %dma_start3A_178 = tpu.memref_slice %arg11[%dma_start3A_177] : memref<528xi32, #tpu.memory_space<vmem>> -> memref<128xi32, #tpu.memory_space<vmem>>
      %dma_start3A_179 = tpu.memref_slice %arg3[%add3A_10] : memref<16384xi32, #tpu.memory_space<hbm>> -> memref<128xi32, #tpu.memory_space<hbm>>
      %dma_start3A_180 = arith.constant 128 : i32
      %dma_start3A_181 = tpu.memref_slice %arg11[%dma_start3A_180] : memref<528xi32, #tpu.memory_space<vmem>> -> memref<128xi32, #tpu.memory_space<vmem>>
      %dma_start3A_182 = tpu.memref_slice %arg3[%add3A_10] : memref<16384xi32, #tpu.memory_space<hbm>> -> memref<128xi32, #tpu.memory_space<hbm>>
      tpu.enqueue_dma source(%dma_start3A_182 : memref<128xi32, #tpu.memory_space<hbm>>) target(%dma_start3A_181 : memref<128xi32, #tpu.memory_space<vmem>>) target_semaphore(%run_scoped3A : memref<!tpu.dma_semaphore, #tpu.memory_space<semaphore_mem>>)
      %dma_wait3A = arith.constant 128 : i32
      %dma_wait3A_183 = tpu.memref_slice %arg11[%dma_wait3A] : memref<528xi32, #tpu.memory_space<vmem>> -> memref<128xi32, #tpu.memory_space<vmem>>
      %dma_wait3A_184 = tpu.memref_slice %arg3[%add3A_10] : memref<16384xi32, #tpu.memory_space<hbm>> -> memref<128xi32, #tpu.memory_space<hbm>>
      %dma_wait3A_185 = arith.constant 128 : i32
      %dma_wait3A_186 = tpu.memref_slice %arg11[%dma_wait3A_185] : memref<528xi32, #tpu.memory_space<vmem>> -> memref<128xi32, #tpu.memory_space<vmem>>
      %dma_wait3A_187 = tpu.memref_slice %arg3[%add3A_10] : memref<16384xi32, #tpu.memory_space<hbm>> -> memref<128xi32, #tpu.memory_space<hbm>>
      tpu.wait_dma2 semaphore(%run_scoped3A : memref<!tpu.dma_semaphore, #tpu.memory_space<semaphore_mem>>) src(%dma_wait3A_187 : memref<128xi32, #tpu.memory_space<hbm>>) dst(%dma_wait3A_186 : memref<128xi32, #tpu.memory_space<vmem>>)
      tpu.yield
    }) : () -> ()
    %add3A_11 = arith.constant 256 : i32
    %add3A_12 = arith.addi %mul3A_2, %add3A_11 : i32
    "tpu.region"() ({
      %run_scoped3A = tpu.sem_alloc : memref<!tpu.dma_semaphore, #tpu.memory_space<semaphore_mem>>
      %dma_start3A_177 = arith.constant 256 : i32
      %dma_start3A_178 = tpu.memref_slice %arg10[%dma_start3A_177] : memref<528xi32, #tpu.memory_space<vmem>> -> memref<128xi32, #tpu.memory_space<vmem>>
      %dma_start3A_179 = tpu.memref_slice %arg2[%add3A_12] : memref<16384xi32, #tpu.memory_space<hbm>> -> memref<128xi32, #tpu.memory_space<hbm>>
      %dma_start3A_180 = arith.constant 256 : i32
      %dma_start3A_181 = tpu.memref_slice %arg10[%dma_start3A_180] : memref<528xi32, #tpu.memory_space<vmem>> -> memref<128xi32, #tpu.memory_space<vmem>>
      %dma_start3A_182 = tpu.memref_slice %arg2[%add3A_12] : memref<16384xi32, #tpu.memory_space<hbm>> -> memref<128xi32, #tpu.memory_space<hbm>>
      tpu.enqueue_dma source(%dma_start3A_182 : memref<128xi32, #tpu.memory_space<hbm>>) target(%dma_start3A_181 : memref<128xi32, #tpu.memory_space<vmem>>) target_semaphore(%run_scoped3A : memref<!tpu.dma_semaphore, #tpu.memory_space<semaphore_mem>>)
      %dma_wait3A = arith.constant 256 : i32
      %dma_wait3A_183 = tpu.memref_slice %arg10[%dma_wait3A] : memref<528xi32, #tpu.memory_space<vmem>> -> memref<128xi32, #tpu.memory_space<vmem>>
      %dma_wait3A_184 = tpu.memref_slice %arg2[%add3A_12] : memref<16384xi32, #tpu.memory_space<hbm>> -> memref<128xi32, #tpu.memory_space<hbm>>
      %dma_wait3A_185 = arith.constant 256 : i32
      %dma_wait3A_186 = tpu.memref_slice %arg10[%dma_wait3A_185] : memref<528xi32, #tpu.memory_space<vmem>> -> memref<128xi32, #tpu.memory_space<vmem>>
      %dma_wait3A_187 = tpu.memref_slice %arg2[%add3A_12] : memref<16384xi32, #tpu.memory_space<hbm>> -> memref<128xi32, #tpu.memory_space<hbm>>
      tpu.wait_dma2 semaphore(%run_scoped3A : memref<!tpu.dma_semaphore, #tpu.memory_space<semaphore_mem>>) src(%dma_wait3A_187 : memref<128xi32, #tpu.memory_space<hbm>>) dst(%dma_wait3A_186 : memref<128xi32, #tpu.memory_space<vmem>>)
      tpu.yield
    }) : () -> ()
    %add3A_13 = arith.constant 256 : i32
    %add3A_14 = arith.addi %mul3A_2, %add3A_13 : i32
    "tpu.region"() ({
      %run_scoped3A = tpu.sem_alloc : memref<!tpu.dma_semaphore, #tpu.memory_space<semaphore_mem>>
      %dma_start3A_177 = arith.constant 256 : i32
      %dma_start3A_178 = tpu.memref_slice %arg11[%dma_start3A_177] : memref<528xi32, #tpu.memory_space<vmem>> -> memref<128xi32, #tpu.memory_space<vmem>>
      %dma_start3A_179 = tpu.memref_slice %arg3[%add3A_14] : memref<16384xi32, #tpu.memory_space<hbm>> -> memref<128xi32, #tpu.memory_space<hbm>>
      %dma_start3A_180 = arith.constant 256 : i32
      %dma_start3A_181 = tpu.memref_slice %arg11[%dma_start3A_180] : memref<528xi32, #tpu.memory_space<vmem>> -> memref<128xi32, #tpu.memory_space<vmem>>
      %dma_start3A_182 = tpu.memref_slice %arg3[%add3A_14] : memref<16384xi32, #tpu.memory_space<hbm>> -> memref<128xi32, #tpu.memory_space<hbm>>
      tpu.enqueue_dma source(%dma_start3A_182 : memref<128xi32, #tpu.memory_space<hbm>>) target(%dma_start3A_181 : memref<128xi32, #tpu.memory_space<vmem>>) target_semaphore(%run_scoped3A : memref<!tpu.dma_semaphore, #tpu.memory_space<semaphore_mem>>)
      %dma_wait3A = arith.constant 256 : i32
      %dma_wait3A_183 = tpu.memref_slice %arg11[%dma_wait3A] : memref<528xi32, #tpu.memory_space<vmem>> -> memref<128xi32, #tpu.memory_space<vmem>>
      %dma_wait3A_184 = tpu.memref_slice %arg3[%add3A_14] : memref<16384xi32, #tpu.memory_space<hbm>> -> memref<128xi32, #tpu.memory_space<hbm>>
      %dma_wait3A_185 = arith.constant 256 : i32
      %dma_wait3A_186 = tpu.memref_slice %arg11[%dma_wait3A_185] : memref<528xi32, #tpu.memory_space<vmem>> -> memref<128xi32, #tpu.memory_space<vmem>>
      %dma_wait3A_187 = tpu.memref_slice %arg3[%add3A_14] : memref<16384xi32, #tpu.memory_space<hbm>> -> memref<128xi32, #tpu.memory_space<hbm>>
      tpu.wait_dma2 semaphore(%run_scoped3A : memref<!tpu.dma_semaphore, #tpu.memory_space<semaphore_mem>>) src(%dma_wait3A_187 : memref<128xi32, #tpu.memory_space<hbm>>) dst(%dma_wait3A_186 : memref<128xi32, #tpu.memory_space<vmem>>)
      tpu.yield
    }) : () -> ()
    %add3A_15 = arith.constant 384 : i32
    %add3A_16 = arith.addi %mul3A_2, %add3A_15 : i32
    "tpu.region"() ({
      %run_scoped3A = tpu.sem_alloc : memref<!tpu.dma_semaphore, #tpu.memory_space<semaphore_mem>>
      %dma_start3A_177 = arith.constant 384 : i32
      %dma_start3A_178 = tpu.memref_slice %arg10[%dma_start3A_177] : memref<528xi32, #tpu.memory_space<vmem>> -> memref<128xi32, #tpu.memory_space<vmem>>
      %dma_start3A_179 = tpu.memref_slice %arg2[%add3A_16] : memref<16384xi32, #tpu.memory_space<hbm>> -> memref<128xi32, #tpu.memory_space<hbm>>
      %dma_start3A_180 = arith.constant 384 : i32
      %dma_start3A_181 = tpu.memref_slice %arg10[%dma_start3A_180] : memref<528xi32, #tpu.memory_space<vmem>> -> memref<128xi32, #tpu.memory_space<vmem>>
      %dma_start3A_182 = tpu.memref_slice %arg2[%add3A_16] : memref<16384xi32, #tpu.memory_space<hbm>> -> memref<128xi32, #tpu.memory_space<hbm>>
      tpu.enqueue_dma source(%dma_start3A_182 : memref<128xi32, #tpu.memory_space<hbm>>) target(%dma_start3A_181 : memref<128xi32, #tpu.memory_space<vmem>>) target_semaphore(%run_scoped3A : memref<!tpu.dma_semaphore, #tpu.memory_space<semaphore_mem>>)
      %dma_wait3A = arith.constant 384 : i32
      %dma_wait3A_183 = tpu.memref_slice %arg10[%dma_wait3A] : memref<528xi32, #tpu.memory_space<vmem>> -> memref<128xi32, #tpu.memory_space<vmem>>
      %dma_wait3A_184 = tpu.memref_slice %arg2[%add3A_16] : memref<16384xi32, #tpu.memory_space<hbm>> -> memref<128xi32, #tpu.memory_space<hbm>>
      %dma_wait3A_185 = arith.constant 384 : i32
      %dma_wait3A_186 = tpu.memref_slice %arg10[%dma_wait3A_185] : memref<528xi32, #tpu.memory_space<vmem>> -> memref<128xi32, #tpu.memory_space<vmem>>
      %dma_wait3A_187 = tpu.memref_slice %arg2[%add3A_16] : memref<16384xi32, #tpu.memory_space<hbm>> -> memref<128xi32, #tpu.memory_space<hbm>>
      tpu.wait_dma2 semaphore(%run_scoped3A : memref<!tpu.dma_semaphore, #tpu.memory_space<semaphore_mem>>) src(%dma_wait3A_187 : memref<128xi32, #tpu.memory_space<hbm>>) dst(%dma_wait3A_186 : memref<128xi32, #tpu.memory_space<vmem>>)
      tpu.yield
    }) : () -> ()
    %add3A_17 = arith.constant 384 : i32
    %add3A_18 = arith.addi %mul3A_2, %add3A_17 : i32
    "tpu.region"() ({
      %run_scoped3A = tpu.sem_alloc : memref<!tpu.dma_semaphore, #tpu.memory_space<semaphore_mem>>
      %dma_start3A_177 = arith.constant 384 : i32
      %dma_start3A_178 = tpu.memref_slice %arg11[%dma_start3A_177] : memref<528xi32, #tpu.memory_space<vmem>> -> memref<128xi32, #tpu.memory_space<vmem>>
      %dma_start3A_179 = tpu.memref_slice %arg3[%add3A_18] : memref<16384xi32, #tpu.memory_space<hbm>> -> memref<128xi32, #tpu.memory_space<hbm>>
      %dma_start3A_180 = arith.constant 384 : i32
      %dma_start3A_181 = tpu.memref_slice %arg11[%dma_start3A_180] : memref<528xi32, #tpu.memory_space<vmem>> -> memref<128xi32, #tpu.memory_space<vmem>>
      %dma_start3A_182 = tpu.memref_slice %arg3[%add3A_18] : memref<16384xi32, #tpu.memory_space<hbm>> -> memref<128xi32, #tpu.memory_space<hbm>>
      tpu.enqueue_dma source(%dma_start3A_182 : memref<128xi32, #tpu.memory_space<hbm>>) target(%dma_start3A_181 : memref<128xi32, #tpu.memory_space<vmem>>) target_semaphore(%run_scoped3A : memref<!tpu.dma_semaphore, #tpu.memory_space<semaphore_mem>>)
      %dma_wait3A = arith.constant 384 : i32
      %dma_wait3A_183 = tpu.memref_slice %arg11[%dma_wait3A] : memref<528xi32, #tpu.memory_space<vmem>> -> memref<128xi32, #tpu.memory_space<vmem>>
      %dma_wait3A_184 = tpu.memref_slice %arg3[%add3A_18] : memref<16384xi32, #tpu.memory_space<hbm>> -> memref<128xi32, #tpu.memory_space<hbm>>
      %dma_wait3A_185 = arith.constant 384 : i32
      %dma_wait3A_186 = tpu.memref_slice %arg11[%dma_wait3A_185] : memref<528xi32, #tpu.memory_space<vmem>> -> memref<128xi32, #tpu.memory_space<vmem>>
      %dma_wait3A_187 = tpu.memref_slice %arg3[%add3A_18] : memref<16384xi32, #tpu.memory_space<hbm>> -> memref<128xi32, #tpu.memory_space<hbm>>
      tpu.wait_dma2 semaphore(%run_scoped3A : memref<!tpu.dma_semaphore, #tpu.memory_space<semaphore_mem>>) src(%dma_wait3A_187 : memref<128xi32, #tpu.memory_space<hbm>>) dst(%dma_wait3A_186 : memref<128xi32, #tpu.memory_space<vmem>>)
      tpu.yield
    }) : () -> ()
    %get3A = arith.constant 0 : index
    %get3A_19 = tpu.vector_load %arg10[%get3A] {strides = array<i32>} : memref<528xi32, #tpu.memory_space<vmem>>, vector<16xi32>,
    %slice3A = vector.extract_strided_slice %get3A_19 {offsets = [0], sizes = [1], strides = [1]} : vector<16xi32> to vector<1xi32>
    %squeeze3A = vector.extract %slice3A[0] : i32 from vector<1xi32>
    %shift_right_arithmetic3A = arith.constant 7 : i32
    %shift_right_arithmetic3A_20 = arith.shrsi %squeeze3A, %shift_right_arithmetic3A : i32
    %shift_left3A = arith.constant 7 : i32
    %shift_left3A_21 = arith.shli %shift_right_arithmetic3A_20, %shift_left3A : i32
    %multiple_of3A = tpu.assume_multiple %shift_left3A_21, 128 : i32
    %get3A_22 = arith.constant 0 : index
    %get3A_23 = tpu.vector_load %arg11[%get3A_22] {strides = array<i32>} : memref<528xi32, #tpu.memory_space<vmem>>, vector<16xi32>,
    %slice3A_24 = vector.extract_strided_slice %get3A_23 {offsets = [0], sizes = [1], strides = [1]} : vector<16xi32> to vector<1xi32>
    %squeeze3A_25 = vector.extract %slice3A_24[0] : i32 from vector<1xi32>
    %shift_right_arithmetic3A_26 = arith.constant 7 : i32
    %shift_right_arithmetic3A_27 = arith.shrsi %squeeze3A_25, %shift_right_arithmetic3A_26 : i32
    %shift_left3A_28 = arith.constant 7 : i32
    %shift_left3A_29 = arith.shli %shift_right_arithmetic3A_27, %shift_left3A_28 : i32
    %multiple_of3A_30 = tpu.assume_multiple %shift_left3A_29, 128 : i32
    %dma_start3A = arith.constant 0 : i32
    %dma_start3A_31 = tpu.memref_slice %arg4[%dma_start3A, %multiple_of3A] : memref<64x1000000xf32, #tpu.memory_space<hbm>> -> memref<64x128xf32, #tpu.memory_space<hbm>>
    %dma_start3A_32 = arith.constant 0 : i32
    %dma_start3A_33 = tpu.memref_slice %arg4[%dma_start3A_32, %multiple_of3A] : memref<64x1000000xf32, #tpu.memory_space<hbm>> -> memref<64x128xf32, #tpu.memory_space<hbm>>
    tpu.enqueue_dma source(%dma_start3A_33 : memref<64x128xf32, #tpu.memory_space<hbm>>) target(%arg12 : memref<64x128xf32, #tpu.memory_space<vmem>>) target_semaphore(%arg30 : memref<!tpu.dma_semaphore, #tpu.memory_space<semaphore_mem>>)
    %dma_start3A_34 = arith.constant 0 : i32
    %dma_start3A_35 = tpu.memref_slice %arg5[%dma_start3A_34, %multiple_of3A_30] : memref<64x1000000xf32, #tpu.memory_space<hbm>> -> memref<64x128xf32, #tpu.memory_space<hbm>>
    %dma_start3A_36 = arith.constant 0 : i32
    %dma_start3A_37 = tpu.memref_slice %arg5[%dma_start3A_36, %multiple_of3A_30] : memref<64x1000000xf32, #tpu.memory_space<hbm>> -> memref<64x128xf32, #tpu.memory_space<hbm>>
    tpu.enqueue_dma source(%dma_start3A_37 : memref<64x128xf32, #tpu.memory_space<hbm>>) target(%arg16 : memref<64x128xf32, #tpu.memory_space<vmem>>) target_semaphore(%arg34 : memref<!tpu.dma_semaphore, #tpu.memory_space<semaphore_mem>>)
    %dma_start3A_38 = arith.constant 0 : i32
    %dma_start3A_39 = tpu.memref_slice %arg6[%dma_start3A_38, %multiple_of3A] : memref<1x1000000xf32, #tpu.memory_space<hbm>> -> memref<1x128xf32, #tpu.memory_space<hbm>>
    %dma_start3A_40 = arith.constant 0 : i32
    %dma_start3A_41 = tpu.memref_slice %arg6[%dma_start3A_40, %multiple_of3A] : memref<1x1000000xf32, #tpu.memory_space<hbm>> -> memref<1x128xf32, #tpu.memory_space<hbm>>
    tpu.enqueue_dma source(%dma_start3A_41 : memref<1x128xf32, #tpu.memory_space<hbm>>) target(%arg20 : memref<1x128xf32, #tpu.memory_space<vmem>>) target_semaphore(%arg38 : memref<!tpu.dma_semaphore, #tpu.memory_space<semaphore_mem>>)
    %dma_start3A_42 = arith.constant 0 : i32
    %dma_start3A_43 = tpu.memref_slice %arg7[%dma_start3A_42, %multiple_of3A_30] : memref<1x1000000xf32, #tpu.memory_space<hbm>> -> memref<1x128xf32, #tpu.memory_space<hbm>>
    %dma_start3A_44 = arith.constant 0 : i32
    %dma_start3A_45 = tpu.memref_slice %arg7[%dma_start3A_44, %multiple_of3A_30] : memref<1x1000000xf32, #tpu.memory_space<hbm>> -> memref<1x128xf32, #tpu.memory_space<hbm>>
    tpu.enqueue_dma source(%dma_start3A_45 : memref<1x128xf32, #tpu.memory_space<hbm>>) target(%arg24 : memref<1x128xf32, #tpu.memory_space<vmem>>) target_semaphore(%arg42 : memref<!tpu.dma_semaphore, #tpu.memory_space<semaphore_mem>>)
    %get3A_46 = arith.constant 1 : index
    %get3A_47 = tpu.vector_load %arg10[%get3A_46] {strides = array<i32>} : memref<528xi32, #tpu.memory_space<vmem>>, vector<16xi32>,
    %slice3A_48 = vector.extract_strided_slice %get3A_47 {offsets = [0], sizes = [1], strides = [1]} : vector<16xi32> to vector<1xi32>
    %squeeze3A_49 = vector.extract %slice3A_48[0] : i32 from vector<1xi32>
    %shift_right_arithmetic3A_50 = arith.constant 7 : i32
    %shift_right_arithmetic3A_51 = arith.shrsi %squeeze3A_49, %shift_right_arithmetic3A_50 : i32
    %shift_left3A_52 = arith.constant 7 : i32
    %shift_left3A_53 = arith.shli %shift_right_arithmetic3A_51, %shift_left3A_52 : i32
    %multiple_of3A_54 = tpu.assume_multiple %shift_left3A_53, 128 : i32
    %get3A_55 = arith.constant 1 : index
    %get3A_56 = tpu.vector_load %arg11[%get3A_55] {strides = array<i32>} : memref<528xi32, #tpu.memory_space<vmem>>, vector<16xi32>,
    %slice3A_57 = vector.extract_strided_slice %get3A_56 {offsets = [0], sizes = [1], strides = [1]} : vector<16xi32> to vector<1xi32>
    %squeeze3A_58 = vector.extract %slice3A_57[0] : i32 from vector<1xi32>
    %shift_right_arithmetic3A_59 = arith.constant 7 : i32
    %shift_right_arithmetic3A_60 = arith.shrsi %squeeze3A_58, %shift_right_arithmetic3A_59 : i32
    %shift_left3A_61 = arith.constant 7 : i32
    %shift_left3A_62 = arith.shli %shift_right_arithmetic3A_60, %shift_left3A_61 : i32
    %multiple_of3A_63 = tpu.assume_multiple %shift_left3A_62, 128 : i32
    %dma_start3A_64 = arith.constant 0 : i32
    %dma_start3A_65 = tpu.memref_slice %arg4[%dma_start3A_64, %multiple_of3A_54] : memref<64x1000000xf32, #tpu.memory_space<hbm>> -> memref<64x128xf32, #tpu.memory_space<hbm>>
    %dma_start3A_66 = arith.constant 0 : i32
    %dma_start3A_67 = tpu.memref_slice %arg4[%dma_start3A_66, %multiple_of3A_54] : memref<64x1000000xf32, #tpu.memory_space<hbm>> -> memref<64x128xf32, #tpu.memory_space<hbm>>
    tpu.enqueue_dma source(%dma_start3A_67 : memref<64x128xf32, #tpu.memory_space<hbm>>) target(%arg13 : memref<64x128xf32, #tpu.memory_space<vmem>>) target_semaphore(%arg31 : memref<!tpu.dma_semaphore, #tpu.memory_space<semaphore_mem>>)
    %dma_start3A_68 = arith.constant 0 : i32
    %dma_start3A_69 = tpu.memref_slice %arg5[%dma_start3A_68, %multiple_of3A_63] : memref<64x1000000xf32, #tpu.memory_space<hbm>> -> memref<64x128xf32, #tpu.memory_space<hbm>>
    %dma_start3A_70 = arith.constant 0 : i32
    %dma_start3A_71 = tpu.memref_slice %arg5[%dma_start3A_70, %multiple_of3A_63] : memref<64x1000000xf32, #tpu.memory_space<hbm>> -> memref<64x128xf32, #tpu.memory_space<hbm>>
    tpu.enqueue_dma source(%dma_start3A_71 : memref<64x128xf32, #tpu.memory_space<hbm>>) target(%arg17 : memref<64x128xf32, #tpu.memory_space<vmem>>) target_semaphore(%arg35 : memref<!tpu.dma_semaphore, #tpu.memory_space<semaphore_mem>>)
    %dma_start3A_72 = arith.constant 0 : i32
    %dma_start3A_73 = tpu.memref_slice %arg6[%dma_start3A_72, %multiple_of3A_54] : memref<1x1000000xf32, #tpu.memory_space<hbm>> -> memref<1x128xf32, #tpu.memory_space<hbm>>
    %dma_start3A_74 = arith.constant 0 : i32
    %dma_start3A_75 = tpu.memref_slice %arg6[%dma_start3A_74, %multiple_of3A_54] : memref<1x1000000xf32, #tpu.memory_space<hbm>> -> memref<1x128xf32, #tpu.memory_space<hbm>>
    tpu.enqueue_dma source(%dma_start3A_75 : memref<1x128xf32, #tpu.memory_space<hbm>>) target(%arg21 : memref<1x128xf32, #tpu.memory_space<vmem>>) target_semaphore(%arg39 : memref<!tpu.dma_semaphore, #tpu.memory_space<semaphore_mem>>)
    %dma_start3A_76 = arith.constant 0 : i32
    %dma_start3A_77 = tpu.memref_slice %arg7[%dma_start3A_76, %multiple_of3A_63] : memref<1x1000000xf32, #tpu.memory_space<hbm>> -> memref<1x128xf32, #tpu.memory_space<hbm>>
    %dma_start3A_78 = arith.constant 0 : i32
    %dma_start3A_79 = tpu.memref_slice %arg7[%dma_start3A_78, %multiple_of3A_63] : memref<1x1000000xf32, #tpu.memory_space<hbm>> -> memref<1x128xf32, #tpu.memory_space<hbm>>
    tpu.enqueue_dma source(%dma_start3A_79 : memref<1x128xf32, #tpu.memory_space<hbm>>) target(%arg25 : memref<1x128xf32, #tpu.memory_space<vmem>>) target_semaphore(%arg43 : memref<!tpu.dma_semaphore, #tpu.memory_space<semaphore_mem>>)
    %get3A_80 = arith.constant 2 : index
    %get3A_81 = tpu.vector_load %arg10[%get3A_80] {strides = array<i32>} : memref<528xi32, #tpu.memory_space<vmem>>, vector<16xi32>,
    %slice3A_82 = vector.extract_strided_slice %get3A_81 {offsets = [0], sizes = [1], strides = [1]} : vector<16xi32> to vector<1xi32>
    %squeeze3A_83 = vector.extract %slice3A_82[0] : i32 from vector<1xi32>
    %shift_right_arithmetic3A_84 = arith.constant 7 : i32
    %shift_right_arithmetic3A_85 = arith.shrsi %squeeze3A_83, %shift_right_arithmetic3A_84 : i32
    %shift_left3A_86 = arith.constant 7 : i32
    %shift_left3A_87 = arith.shli %shift_right_arithmetic3A_85, %shift_left3A_86 : i32
    %multiple_of3A_88 = tpu.assume_multiple %shift_left3A_87, 128 : i32
    %get3A_89 = arith.constant 2 : index
    %get3A_90 = tpu.vector_load %arg11[%get3A_89] {strides = array<i32>} : memref<528xi32, #tpu.memory_space<vmem>>, vector<16xi32>,
    %slice3A_91 = vector.extract_strided_slice %get3A_90 {offsets = [0], sizes = [1], strides = [1]} : vector<16xi32> to vector<1xi32>
    %squeeze3A_92 = vector.extract %slice3A_91[0] : i32 from vector<1xi32>
    %shift_right_arithmetic3A_93 = arith.constant 7 : i32
    %shift_right_arithmetic3A_94 = arith.shrsi %squeeze3A_92, %shift_right_arithmetic3A_93 : i32
    %shift_left3A_95 = arith.constant 7 : i32
    %shift_left3A_96 = arith.shli %shift_right_arithmetic3A_94, %shift_left3A_95 : i32
    %multiple_of3A_97 = tpu.assume_multiple %shift_left3A_96, 128 : i32
    %dma_start3A_98 = arith.constant 0 : i32
    %dma_start3A_99 = tpu.memref_slice %arg4[%dma_start3A_98, %multiple_of3A_88] : memref<64x1000000xf32, #tpu.memory_space<hbm>> -> memref<64x128xf32, #tpu.memory_space<hbm>>
    %dma_start3A_100 = arith.constant 0 : i32
    %dma_start3A_101 = tpu.memref_slice %arg4[%dma_start3A_100, %multiple_of3A_88] : memref<64x1000000xf32, #tpu.memory_space<hbm>> -> memref<64x128xf32, #tpu.memory_space<hbm>>
    tpu.enqueue_dma source(%dma_start3A_101 : memref<64x128xf32, #tpu.memory_space<hbm>>) target(%arg14 : memref<64x128xf32, #tpu.memory_space<vmem>>) target_semaphore(%arg32 : memref<!tpu.dma_semaphore, #tpu.memory_space<semaphore_mem>>)
    %dma_start3A_102 = arith.constant 0 : i32
    %dma_start3A_103 = tpu.memref_slice %arg5[%dma_start3A_102, %multiple_of3A_97] : memref<64x1000000xf32, #tpu.memory_space<hbm>> -> memref<64x128xf32, #tpu.memory_space<hbm>>
    %dma_start3A_104 = arith.constant 0 : i32
    %dma_start3A_105 = tpu.memref_slice %arg5[%dma_start3A_104, %multiple_of3A_97] : memref<64x1000000xf32, #tpu.memory_space<hbm>> -> memref<64x128xf32, #tpu.memory_space<hbm>>
    tpu.enqueue_dma source(%dma_start3A_105 : memref<64x128xf32, #tpu.memory_space<hbm>>) target(%arg18 : memref<64x128xf32, #tpu.memory_space<vmem>>) target_semaphore(%arg36 : memref<!tpu.dma_semaphore, #tpu.memory_space<semaphore_mem>>)
    %dma_start3A_106 = arith.constant 0 : i32
    %dma_start3A_107 = tpu.memref_slice %arg6[%dma_start3A_106, %multiple_of3A_88] : memref<1x1000000xf32, #tpu.memory_space<hbm>> -> memref<1x128xf32, #tpu.memory_space<hbm>>
    %dma_start3A_108 = arith.constant 0 : i32
    %dma_start3A_109 = tpu.memref_slice %arg6[%dma_start3A_108, %multiple_of3A_88] : memref<1x1000000xf32, #tpu.memory_space<hbm>> -> memref<1x128xf32, #tpu.memory_space<hbm>>
    tpu.enqueue_dma source(%dma_start3A_109 : memref<1x128xf32, #tpu.memory_space<hbm>>) target(%arg22 : memref<1x128xf32, #tpu.memory_space<vmem>>) target_semaphore(%arg40 : memref<!tpu.dma_semaphore, #tpu.memory_space<semaphore_mem>>)
    %dma_start3A_110 = arith.constant 0 : i32
    %dma_start3A_111 = tpu.memref_slice %arg7[%dma_start3A_110, %multiple_of3A_97] : memref<1x1000000xf32, #tpu.memory_space<hbm>> -> memref<1x128xf32, #tpu.memory_space<hbm>>
    %dma_start3A_112 = arith.constant 0 : i32
    %dma_start3A_113 = tpu.memref_slice %arg7[%dma_start3A_112, %multiple_of3A_97] : memref<1x1000000xf32, #tpu.memory_space<hbm>> -> memref<1x128xf32, #tpu.memory_space<hbm>>
    tpu.enqueue_dma source(%dma_start3A_113 : memref<1x128xf32, #tpu.memory_space<hbm>>) target(%arg26 : memref<1x128xf32, #tpu.memory_space<vmem>>) target_semaphore(%arg44 : memref<!tpu.dma_semaphore, #tpu.memory_space<semaphore_mem>>)
    %get3A_114 = arith.constant 3 : index
    %get3A_115 = tpu.vector_load %arg10[%get3A_114] {strides = array<i32>} : memref<528xi32, #tpu.memory_space<vmem>>, vector<16xi32>,
    %slice3A_116 = vector.extract_strided_slice %get3A_115 {offsets = [0], sizes = [1], strides = [1]} : vector<16xi32> to vector<1xi32>
    %squeeze3A_117 = vector.extract %slice3A_116[0] : i32 from vector<1xi32>
    %shift_right_arithmetic3A_118 = arith.constant 7 : i32
    %shift_right_arithmetic3A_119 = arith.shrsi %squeeze3A_117, %shift_right_arithmetic3A_118 : i32
    %shift_left3A_120 = arith.constant 7 : i32
    %shift_left3A_121 = arith.shli %shift_right_arithmetic3A_119, %shift_left3A_120 : i32
    %multiple_of3A_122 = tpu.assume_multiple %shift_left3A_121, 128 : i32
    %get3A_123 = arith.constant 3 : index
    %get3A_124 = tpu.vector_load %arg11[%get3A_123] {strides = array<i32>} : memref<528xi32, #tpu.memory_space<vmem>>, vector<16xi32>,
    %slice3A_125 = vector.extract_strided_slice %get3A_124 {offsets = [0], sizes = [1], strides = [1]} : vector<16xi32> to vector<1xi32>
    %squeeze3A_126 = vector.extract %slice3A_125[0] : i32 from vector<1xi32>
    %shift_right_arithmetic3A_127 = arith.constant 7 : i32
    %shift_right_arithmetic3A_128 = arith.shrsi %squeeze3A_126, %shift_right_arithmetic3A_127 : i32
    %shift_left3A_129 = arith.constant 7 : i32
    %shift_left3A_130 = arith.shli %shift_right_arithmetic3A_128, %shift_left3A_129 : i32
    %multiple_of3A_131 = tpu.assume_multiple %shift_left3A_130, 128 : i32
    %dma_start3A_132 = arith.constant 0 : i32
    %dma_start3A_133 = tpu.memref_slice %arg4[%dma_start3A_132, %multiple_of3A_122] : memref<64x1000000xf32, #tpu.memory_space<hbm>> -> memref<64x128xf32, #tpu.memory_space<hbm>>
    %dma_start3A_134 = arith.constant 0 : i32
    %dma_start3A_135 = tpu.memref_slice %arg4[%dma_start3A_134, %multiple_of3A_122] : memref<64x1000000xf32, #tpu.memory_space<hbm>> -> memref<64x128xf32, #tpu.memory_space<hbm>>
    tpu.enqueue_dma source(%dma_start3A_135 : memref<64x128xf32, #tpu.memory_space<hbm>>) target(%arg15 : memref<64x128xf32, #tpu.memory_space<vmem>>) target_semaphore(%arg33 : memref<!tpu.dma_semaphore, #tpu.memory_space<semaphore_mem>>)
    %dma_start3A_136 = arith.constant 0 : i32
    %dma_start3A_137 = tpu.memref_slice %arg5[%dma_start3A_136, %multiple_of3A_131] : memref<64x1000000xf32, #tpu.memory_space<hbm>> -> memref<64x128xf32, #tpu.memory_space<hbm>>
    %dma_start3A_138 = arith.constant 0 : i32
    %dma_start3A_139 = tpu.memref_slice %arg5[%dma_start3A_138, %multiple_of3A_131] : memref<64x1000000xf32, #tpu.memory_space<hbm>> -> memref<64x128xf32, #tpu.memory_space<hbm>>
    tpu.enqueue_dma source(%dma_start3A_139 : memref<64x128xf32, #tpu.memory_space<hbm>>) target(%arg19 : memref<64x128xf32, #tpu.memory_space<vmem>>) target_semaphore(%arg37 : memref<!tpu.dma_semaphore, #tpu.memory_space<semaphore_mem>>)
    %dma_start3A_140 = arith.constant 0 : i32
    %dma_start3A_141 = tpu.memref_slice %arg6[%dma_start3A_140, %multiple_of3A_122] : memref<1x1000000xf32, #tpu.memory_space<hbm>> -> memref<1x128xf32, #tpu.memory_space<hbm>>
    %dma_start3A_142 = arith.constant 0 : i32
    %dma_start3A_143 = tpu.memref_slice %arg6[%dma_start3A_142, %multiple_of3A_122] : memref<1x1000000xf32, #tpu.memory_space<hbm>> -> memref<1x128xf32, #tpu.memory_space<hbm>>
    tpu.enqueue_dma source(%dma_start3A_143 : memref<1x128xf32, #tpu.memory_space<hbm>>) target(%arg23 : memref<1x128xf32, #tpu.memory_space<vmem>>) target_semaphore(%arg41 : memref<!tpu.dma_semaphore, #tpu.memory_space<semaphore_mem>>)
    %dma_start3A_144 = arith.constant 0 : i32
    %dma_start3A_145 = tpu.memref_slice %arg7[%dma_start3A_144, %multiple_of3A_131] : memref<1x1000000xf32, #tpu.memory_space<hbm>> -> memref<1x128xf32, #tpu.memory_space<hbm>>
    %dma_start3A_146 = arith.constant 0 : i32
    %dma_start3A_147 = tpu.memref_slice %arg7[%dma_start3A_146, %multiple_of3A_131] : memref<1x1000000xf32, #tpu.memory_space<hbm>> -> memref<1x128xf32, #tpu.memory_space<hbm>>
    tpu.enqueue_dma source(%dma_start3A_147 : memref<1x128xf32, #tpu.memory_space<hbm>>) target(%arg27 : memref<1x128xf32, #tpu.memory_space<vmem>>) target_semaphore(%arg45 : memref<!tpu.dma_semaphore, #tpu.memory_space<semaphore_mem>>)
    %broadcast_in_dim3A = arith.constant 0.000000e+00 : f32
    %broadcast_in_dim3A_148 = vector.broadcast %broadcast_in_dim3A : f32 to vector<16xf32>
    %broadcast_in_dim3A_149 = arith.constant 0 : i32
    %broadcast_in_dim3A_150 = vector.broadcast %broadcast_in_dim3A_149 : i32 to vector<16xi32>
    %iota3A = tpu.iota {dimensions = array<i32: 0>} : vector<16xi32>
    %add3A_151 = arith.constant 0 : i32
    %add3A_152 = vector.broadcast %add3A_151 : i32 to vector<16xi32>
    %add3A_153 = arith.addi %iota3A, %add3A_152 : vector<16xi32>
    %iota3A_154 = tpu.iota {dimensions = array<i32: 0>} : vector<16xi32>
    %add3A_155 = arith.constant 16 : i32
    %add3A_156 = vector.broadcast %add3A_155 : i32 to vector<16xi32>
    %add3A_157 = arith.addi %iota3A_154, %add3A_156 : vector<16xi32>
    %iota3A_158 = tpu.iota {dimensions = array<i32: 0>} : vector<16xi32>
    %add3A_159 = arith.constant 32 : i32
    %add3A_160 = vector.broadcast %add3A_159 : i32 to vector<16xi32>
    %add3A_161 = arith.addi %iota3A_158, %add3A_160 : vector<16xi32>
    %iota3A_162 = tpu.iota {dimensions = array<i32: 0>} : vector<16xi32>
    %add3A_163 = arith.constant 48 : i32
    %add3A_164 = vector.broadcast %add3A_163 : i32 to vector<16xi32>
    %add3A_165 = arith.addi %iota3A_162, %add3A_164 : vector<16xi32>
    %scan3A = arith.constant 0 : i32
    %scan3A_166 = arith.constant 128 : i32
    %scan3A_167 = arith.addi %scan3A, %scan3A_166 : i32
    %scan3A_168 = arith.constant 1 : i32
    %scan3A_169:4 = scf.for %scan3A_177 = %scan3A to %scan3A_167 step %scan3A_168 iter_args(%scan3A_178 = %broadcast_in_dim3A_148, %scan3A_179 = %broadcast_in_dim3A_148, %scan3A_180 = %broadcast_in_dim3A_148, %scan3A_181 = %broadcast_in_dim3A_148) -> (vector<16xf32>, vector<16xf32>, vector<16xf32>, vector<16xf32>)  : i32 {
      %dma_wait3A = arith.constant 0 : i32
      %dma_wait3A_182 = arith.constant 0 : i32
      %dma_wait3A_183 = tpu.memref_slice %arg4[%dma_wait3A, %dma_wait3A_182] : memref<64x1000000xf32, #tpu.memory_space<hbm>> -> memref<64x128xf32, #tpu.memory_space<hbm>>
      %dma_wait3A_184 = arith.constant 0 : i32
      %dma_wait3A_185 = arith.constant 0 : i32
      %dma_wait3A_186 = tpu.memref_slice %arg4[%dma_wait3A_184, %dma_wait3A_185] : memref<64x1000000xf32, #tpu.memory_space<hbm>> -> memref<64x128xf32, #tpu.memory_space<hbm>>
      tpu.wait_dma2 semaphore(%arg30 : memref<!tpu.dma_semaphore, #tpu.memory_space<semaphore_mem>>) src(%dma_wait3A_186 : memref<64x128xf32, #tpu.memory_space<hbm>>) dst(%arg12 : memref<64x128xf32, #tpu.memory_space<vmem>>)
      %dma_wait3A_187 = arith.constant 0 : i32
      %dma_wait3A_188 = arith.constant 0 : i32
      %dma_wait3A_189 = tpu.memref_slice %arg5[%dma_wait3A_187, %dma_wait3A_188] : memref<64x1000000xf32, #tpu.memory_space<hbm>> -> memref<64x128xf32, #tpu.memory_space<hbm>>
      %dma_wait3A_190 = arith.constant 0 : i32
      %dma_wait3A_191 = arith.constant 0 : i32
      %dma_wait3A_192 = tpu.memref_slice %arg5[%dma_wait3A_190, %dma_wait3A_191] : memref<64x1000000xf32, #tpu.memory_space<hbm>> -> memref<64x128xf32, #tpu.memory_space<hbm>>
      tpu.wait_dma2 semaphore(%arg34 : memref<!tpu.dma_semaphore, #tpu.memory_space<semaphore_mem>>) src(%dma_wait3A_192 : memref<64x128xf32, #tpu.memory_space<hbm>>) dst(%arg16 : memref<64x128xf32, #tpu.memory_space<vmem>>)
      %dma_wait3A_193 = arith.constant 0 : i32
      %dma_wait3A_194 = arith.constant 0 : i32
      %dma_wait3A_195 = tpu.memref_slice %arg6[%dma_wait3A_193, %dma_wait3A_194] : memref<1x1000000xf32, #tpu.memory_space<hbm>> -> memref<1x128xf32, #tpu.memory_space<hbm>>
      %dma_wait3A_196 = arith.constant 0 : i32
      %dma_wait3A_197 = arith.constant 0 : i32
      %dma_wait3A_198 = tpu.memref_slice %arg6[%dma_wait3A_196, %dma_wait3A_197] : memref<1x1000000xf32, #tpu.memory_space<hbm>> -> memref<1x128xf32, #tpu.memory_space<hbm>>
      tpu.wait_dma2 semaphore(%arg38 : memref<!tpu.dma_semaphore, #tpu.memory_space<semaphore_mem>>) src(%dma_wait3A_198 : memref<1x128xf32, #tpu.memory_space<hbm>>) dst(%arg20 : memref<1x128xf32, #tpu.memory_space<vmem>>)
      %dma_wait3A_199 = arith.constant 0 : i32
      %dma_wait3A_200 = arith.constant 0 : i32
      %dma_wait3A_201 = tpu.memref_slice %arg7[%dma_wait3A_199, %dma_wait3A_200] : memref<1x1000000xf32, #tpu.memory_space<hbm>> -> memref<1x128xf32, #tpu.memory_space<hbm>>
      %dma_wait3A_202 = arith.constant 0 : i32
      %dma_wait3A_203 = arith.constant 0 : i32
      %dma_wait3A_204 = tpu.memref_slice %arg7[%dma_wait3A_202, %dma_wait3A_203] : memref<1x1000000xf32, #tpu.memory_space<hbm>> -> memref<1x128xf32, #tpu.memory_space<hbm>>
      tpu.wait_dma2 semaphore(%arg42 : memref<!tpu.dma_semaphore, #tpu.memory_space<semaphore_mem>>) src(%dma_wait3A_204 : memref<1x128xf32, #tpu.memory_space<hbm>>) dst(%arg24 : memref<1x128xf32, #tpu.memory_space<vmem>>)
      %mul3A_205 = arith.constant 4 : i32
      %mul3A_206 = arith.muli %scan3A_177, %mul3A_205 : i32
      %add3A_207 = arith.constant 0 : i32
      %add3A_208 = arith.addi %mul3A_206, %add3A_207 : i32
      %get3A_209 = arith.index_cast %add3A_208 : i32 to index
      %get3A_210 = tpu.vector_load %arg10[%get3A_209] {strides = array<i32>} : memref<528xi32, #tpu.memory_space<vmem>>, vector<16xi32>,
      %slice3A_211 = vector.extract_strided_slice %get3A_210 {offsets = [0], sizes = [1], strides = [1]} : vector<16xi32> to vector<1xi32>
      %squeeze3A_212 = vector.extract %slice3A_211[0] : i32 from vector<1xi32>
      %and3A = arith.constant 127 : i32
      %and3A_213 = arith.andi %squeeze3A_212, %and3A : i32
      %broadcast_in_dim3A_214 = vector.broadcast %and3A_213 : i32 to vector<16xi32>
      %get3A_215 = arith.index_cast %add3A_208 : i32 to index
      %get3A_216 = tpu.vector_load %arg11[%get3A_215] {strides = array<i32>} : memref<528xi32, #tpu.memory_space<vmem>>, vector<16xi32>,
      %slice3A_217 = vector.extract_strided_slice %get3A_216 {offsets = [0], sizes = [1], strides = [1]} : vector<16xi32> to vector<1xi32>
      %squeeze3A_218 = vector.extract %slice3A_217[0] : i32 from vector<1xi32>
      %and3A_219 = arith.constant 127 : i32
      %and3A_220 = arith.andi %squeeze3A_218, %and3A_219 : i32
      %broadcast_in_dim3A_221 = vector.broadcast %and3A_220 : i32 to vector<16xi32>
      %gather3A = tpu.vector_load_idx %arg12[%add3A_153, %broadcast_in_dim3A_214] : memref<64x128xf32, #tpu.memory_space<vmem>>[vector<16xi32>, vector<16xi32>], vector<16xf32>,
      %gather3A_222 = tpu.vector_load_idx %arg16[%add3A_153, %broadcast_in_dim3A_221] : memref<64x128xf32, #tpu.memory_space<vmem>>[vector<16xi32>, vector<16xi32>], vector<16xf32>,
      %mul3A_223 = arith.mulf %gather3A, %gather3A_222 : vector<16xf32>
      %add3A_224 = arith.addf %scan3A_178, %mul3A_223 : vector<16xf32>
      %gather3A_225 = tpu.vector_load_idx %arg12[%add3A_157, %broadcast_in_dim3A_214] : memref<64x128xf32, #tpu.memory_space<vmem>>[vector<16xi32>, vector<16xi32>], vector<16xf32>,
      %gather3A_226 = tpu.vector_load_idx %arg16[%add3A_157, %broadcast_in_dim3A_221] : memref<64x128xf32, #tpu.memory_space<vmem>>[vector<16xi32>, vector<16xi32>], vector<16xf32>,
      %mul3A_227 = arith.mulf %gather3A_225, %gather3A_226 : vector<16xf32>
      %add3A_228 = arith.addf %scan3A_179, %mul3A_227 : vector<16xf32>
      %gather3A_229 = tpu.vector_load_idx %arg12[%add3A_161, %broadcast_in_dim3A_214] : memref<64x128xf32, #tpu.memory_space<vmem>>[vector<16xi32>, vector<16xi32>], vector<16xf32>,
      %gather3A_230 = tpu.vector_load_idx %arg16[%add3A_161, %broadcast_in_dim3A_221] : memref<64x128xf32, #tpu.memory_space<vmem>>[vector<16xi32>, vector<16xi32>], vector<16xf32>,
      %mul3A_231 = arith.mulf %gather3A_229, %gather3A_230 : vector<16xf32>
      %add3A_232 = arith.addf %scan3A_180, %mul3A_231 : vector<16xf32>
      %gather3A_233 = tpu.vector_load_idx %arg12[%add3A_165, %broadcast_in_dim3A_214] : memref<64x128xf32, #tpu.memory_space<vmem>>[vector<16xi32>, vector<16xi32>], vector<16xf32>,
      %gather3A_234 = tpu.vector_load_idx %arg16[%add3A_165, %broadcast_in_dim3A_221] : memref<64x128xf32, #tpu.memory_space<vmem>>[vector<16xi32>, vector<16xi32>], vector<16xf32>,
      %mul3A_235 = arith.mulf %gather3A_233, %gather3A_234 : vector<16xf32>
      %add3A_236 = arith.addf %scan3A_181, %mul3A_235 : vector<16xf32>
      %gather3A_237 = tpu.vector_load_idx %arg20[%broadcast_in_dim3A_150, %broadcast_in_dim3A_214] : memref<1x128xf32, #tpu.memory_space<vmem>>[vector<16xi32>, vector<16xi32>], vector<16xf32>,
      %gather3A_238 = tpu.vector_load_idx %arg24[%broadcast_in_dim3A_150, %broadcast_in_dim3A_221] : memref<1x128xf32, #tpu.memory_space<vmem>>[vector<16xi32>, vector<16xi32>], vector<16xf32>,
      %broadcast_in_dim3A_239 = vector.broadcast %add3A_208 : i32 to vector<16xi32>
      %add3A_240 = arith.addf %gather3A_237, %gather3A_238 : vector<16xf32>
      tpu.vector_store_idx %arg28[%broadcast_in_dim3A_239], %add3A_240 : memref<512xf32, #tpu.memory_space<vmem>>[vector<16xi32>], vector<16xf32>,
      %lt3A = arith.constant 127 : i32
      %lt3A_241 = arith.cmpi slt, %scan3A_177, %lt3A : i32
      %convert_element_type3A = arith.extui %lt3A_241 : i1 to i32
      %cond3A = arith.constant 0 : i32
      %cond3A_242 = arith.cmpi ne, %convert_element_type3A, %cond3A : i32
      scf.if %cond3A_242 {
        %add3A_444 = arith.constant 1 : i32
        %add3A_445 = arith.addi %scan3A_177, %add3A_444 : i32
        %mul3A_446 = arith.constant 4 : i32
        %mul3A_447 = arith.muli %add3A_445, %mul3A_446 : i32
        %add3A_448 = arith.constant 0 : i32
        %add3A_449 = arith.addi %mul3A_447, %add3A_448 : i32
        %get3A_450 = arith.index_cast %add3A_449 : i32 to index
        %get3A_451 = tpu.vector_load %arg10[%get3A_450] {strides = array<i32>} : memref<528xi32, #tpu.memory_space<vmem>>, vector<16xi32>,
        %slice3A_452 = vector.extract_strided_slice %get3A_451 {offsets = [0], sizes = [1], strides = [1]} : vector<16xi32> to vector<1xi32>
        %squeeze3A_453 = vector.extract %slice3A_452[0] : i32 from vector<1xi32>
        %shift_right_arithmetic3A_454 = arith.constant 7 : i32
        %shift_right_arithmetic3A_455 = arith.shrsi %squeeze3A_453, %shift_right_arithmetic3A_454 : i32
        %shift_left3A_456 = arith.constant 7 : i32
        %shift_left3A_457 = arith.shli %shift_right_arithmetic3A_455, %shift_left3A_456 : i32
        %multiple_of3A_458 = tpu.assume_multiple %shift_left3A_457, 128 : i32
        %get3A_459 = arith.index_cast %add3A_449 : i32 to index
        %get3A_460 = tpu.vector_load %arg11[%get3A_459] {strides = array<i32>} : memref<528xi32, #tpu.memory_space<vmem>>, vector<16xi32>,
        %slice3A_461 = vector.extract_strided_slice %get3A_460 {offsets = [0], sizes = [1], strides = [1]} : vector<16xi32> to vector<1xi32>
        %squeeze3A_462 = vector.extract %slice3A_461[0] : i32 from vector<1xi32>
        %shift_right_arithmetic3A_463 = arith.constant 7 : i32
        %shift_right_arithmetic3A_464 = arith.shrsi %squeeze3A_462, %shift_right_arithmetic3A_463 : i32
        %shift_left3A_465 = arith.constant 7 : i32
        %shift_left3A_466 = arith.shli %shift_right_arithmetic3A_464, %shift_left3A_465 : i32
        %multiple_of3A_467 = tpu.assume_multiple %shift_left3A_466, 128 : i32
        %dma_start3A_468 = arith.constant 0 : i32
        %dma_start3A_469 = tpu.memref_slice %arg4[%dma_start3A_468, %multiple_of3A_458] : memref<64x1000000xf32, #tpu.memory_space<hbm>> -> memref<64x128xf32, #tpu.memory_space<hbm>>
        %dma_start3A_470 = arith.constant 0 : i32
        %dma_start3A_471 = tpu.memref_slice %arg4[%dma_start3A_470, %multiple_of3A_458] : memref<64x1000000xf32, #tpu.memory_space<hbm>> -> memref<64x128xf32, #tpu.memory_space<hbm>>
        tpu.enqueue_dma source(%dma_start3A_471 : memref<64x128xf32, #tpu.memory_space<hbm>>) target(%arg12 : memref<64x128xf32, #tpu.memory_space<vmem>>) target_semaphore(%arg30 : memref<!tpu.dma_semaphore, #tpu.memory_space<semaphore_mem>>)
        %dma_start3A_472 = arith.constant 0 : i32
        %dma_start3A_473 = tpu.memref_slice %arg5[%dma_start3A_472, %multiple_of3A_467] : memref<64x1000000xf32, #tpu.memory_space<hbm>> -> memref<64x128xf32, #tpu.memory_space<hbm>>
        %dma_start3A_474 = arith.constant 0 : i32
        %dma_start3A_475 = tpu.memref_slice %arg5[%dma_start3A_474, %multiple_of3A_467] : memref<64x1000000xf32, #tpu.memory_space<hbm>> -> memref<64x128xf32, #tpu.memory_space<hbm>>
        tpu.enqueue_dma source(%dma_start3A_475 : memref<64x128xf32, #tpu.memory_space<hbm>>) target(%arg16 : memref<64x128xf32, #tpu.memory_space<vmem>>) target_semaphore(%arg34 : memref<!tpu.dma_semaphore, #tpu.memory_space<semaphore_mem>>)
        %dma_start3A_476 = arith.constant 0 : i32
        %dma_start3A_477 = tpu.memref_slice %arg6[%dma_start3A_476, %multiple_of3A_458] : memref<1x1000000xf32, #tpu.memory_space<hbm>> -> memref<1x128xf32, #tpu.memory_space<hbm>>
        %dma_start3A_478 = arith.constant 0 : i32
        %dma_start3A_479 = tpu.memref_slice %arg6[%dma_start3A_478, %multiple_of3A_458] : memref<1x1000000xf32, #tpu.memory_space<hbm>> -> memref<1x128xf32, #tpu.memory_space<hbm>>
        tpu.enqueue_dma source(%dma_start3A_479 : memref<1x128xf32, #tpu.memory_space<hbm>>) target(%arg20 : memref<1x128xf32, #tpu.memory_space<vmem>>) target_semaphore(%arg38 : memref<!tpu.dma_semaphore, #tpu.memory_space<semaphore_mem>>)
        %dma_start3A_480 = arith.constant 0 : i32
        %dma_start3A_481 = tpu.memref_slice %arg7[%dma_start3A_480, %multiple_of3A_467] : memref<1x1000000xf32, #tpu.memory_space<hbm>> -> memref<1x128xf32, #tpu.memory_space<hbm>>
        %dma_start3A_482 = arith.constant 0 : i32
        %dma_start3A_483 = tpu.memref_slice %arg7[%dma_start3A_482, %multiple_of3A_467] : memref<1x1000000xf32, #tpu.memory_space<hbm>> -> memref<1x128xf32, #tpu.memory_space<hbm>>
        tpu.enqueue_dma source(%dma_start3A_483 : memref<1x128xf32, #tpu.memory_space<hbm>>) target(%arg24 : memref<1x128xf32, #tpu.memory_space<vmem>>) target_semaphore(%arg42 : memref<!tpu.dma_semaphore, #tpu.memory_space<semaphore_mem>>)
      } else {
      }
      %dma_wait3A_243 = arith.constant 0 : i32
      %dma_wait3A_244 = arith.constant 0 : i32
      %dma_wait3A_245 = tpu.memref_slice %arg4[%dma_wait3A_243, %dma_wait3A_244] : memref<64x1000000xf32, #tpu.memory_space<hbm>> -> memref<64x128xf32, #tpu.memory_space<hbm>>
      %dma_wait3A_246 = arith.constant 0 : i32
      %dma_wait3A_247 = arith.constant 0 : i32
      %dma_wait3A_248 = tpu.memref_slice %arg4[%dma_wait3A_246, %dma_wait3A_247] : memref<64x1000000xf32, #tpu.memory_space<hbm>> -> memref<64x128xf32, #tpu.memory_space<hbm>>
      tpu.wait_dma2 semaphore(%arg31 : memref<!tpu.dma_semaphore, #tpu.memory_space<semaphore_mem>>) src(%dma_wait3A_248 : memref<64x128xf32, #tpu.memory_space<hbm>>) dst(%arg13 : memref<64x128xf32, #tpu.memory_space<vmem>>)
      %dma_wait3A_249 = arith.constant 0 : i32
      %dma_wait3A_250 = arith.constant 0 : i32
      %dma_wait3A_251 = tpu.memref_slice %arg5[%dma_wait3A_249, %dma_wait3A_250] : memref<64x1000000xf32, #tpu.memory_space<hbm>> -> memref<64x128xf32, #tpu.memory_space<hbm>>
      %dma_wait3A_252 = arith.constant 0 : i32
      %dma_wait3A_253 = arith.constant 0 : i32
      %dma_wait3A_254 = tpu.memref_slice %arg5[%dma_wait3A_252, %dma_wait3A_253] : memref<64x1000000xf32, #tpu.memory_space<hbm>> -> memref<64x128xf32, #tpu.memory_space<hbm>>
      tpu.wait_dma2 semaphore(%arg35 : memref<!tpu.dma_semaphore, #tpu.memory_space<semaphore_mem>>) src(%dma_wait3A_254 : memref<64x128xf32, #tpu.memory_space<hbm>>) dst(%arg17 : memref<64x128xf32, #tpu.memory_space<vmem>>)
      %dma_wait3A_255 = arith.constant 0 : i32
      %dma_wait3A_256 = arith.constant 0 : i32
      %dma_wait3A_257 = tpu.memref_slice %arg6[%dma_wait3A_255, %dma_wait3A_256] : memref<1x1000000xf32, #tpu.memory_space<hbm>> -> memref<1x128xf32, #tpu.memory_space<hbm>>
      %dma_wait3A_258 = arith.constant 0 : i32
      %dma_wait3A_259 = arith.constant 0 : i32
      %dma_wait3A_260 = tpu.memref_slice %arg6[%dma_wait3A_258, %dma_wait3A_259] : memref<1x1000000xf32, #tpu.memory_space<hbm>> -> memref<1x128xf32, #tpu.memory_space<hbm>>
      tpu.wait_dma2 semaphore(%arg39 : memref<!tpu.dma_semaphore, #tpu.memory_space<semaphore_mem>>) src(%dma_wait3A_260 : memref<1x128xf32, #tpu.memory_space<hbm>>) dst(%arg21 : memref<1x128xf32, #tpu.memory_space<vmem>>)
      %dma_wait3A_261 = arith.constant 0 : i32
      %dma_wait3A_262 = arith.constant 0 : i32
      %dma_wait3A_263 = tpu.memref_slice %arg7[%dma_wait3A_261, %dma_wait3A_262] : memref<1x1000000xf32, #tpu.memory_space<hbm>> -> memref<1x128xf32, #tpu.memory_space<hbm>>
      %dma_wait3A_264 = arith.constant 0 : i32
      %dma_wait3A_265 = arith.constant 0 : i32
      %dma_wait3A_266 = tpu.memref_slice %arg7[%dma_wait3A_264, %dma_wait3A_265] : memref<1x1000000xf32, #tpu.memory_space<hbm>> -> memref<1x128xf32, #tpu.memory_space<hbm>>
      tpu.wait_dma2 semaphore(%arg43 : memref<!tpu.dma_semaphore, #tpu.memory_space<semaphore_mem>>) src(%dma_wait3A_266 : memref<1x128xf32, #tpu.memory_space<hbm>>) dst(%arg25 : memref<1x128xf32, #tpu.memory_space<vmem>>)
      %mul3A_267 = arith.constant 4 : i32
      %mul3A_268 = arith.muli %scan3A_177, %mul3A_267 : i32
      %add3A_269 = arith.constant 1 : i32
      %add3A_270 = arith.addi %mul3A_268, %add3A_269 : i32
      %get3A_271 = arith.index_cast %add3A_270 : i32 to index
      %get3A_272 = tpu.vector_load %arg10[%get3A_271] {strides = array<i32>} : memref<528xi32, #tpu.memory_space<vmem>>, vector<16xi32>,
      %slice3A_273 = vector.extract_strided_slice %get3A_272 {offsets = [0], sizes = [1], strides = [1]} : vector<16xi32> to vector<1xi32>
      %squeeze3A_274 = vector.extract %slice3A_273[0] : i32 from vector<1xi32>
      %and3A_275 = arith.constant 127 : i32
      %and3A_276 = arith.andi %squeeze3A_274, %and3A_275 : i32
      %broadcast_in_dim3A_277 = vector.broadcast %and3A_276 : i32 to vector<16xi32>
      %get3A_278 = arith.index_cast %add3A_270 : i32 to index
      %get3A_279 = tpu.vector_load %arg11[%get3A_278] {strides = array<i32>} : memref<528xi32, #tpu.memory_space<vmem>>, vector<16xi32>,
      %slice3A_280 = vector.extract_strided_slice %get3A_279 {offsets = [0], sizes = [1], strides = [1]} : vector<16xi32> to vector<1xi32>
      %squeeze3A_281 = vector.extract %slice3A_280[0] : i32 from vector<1xi32>
      %and3A_282 = arith.constant 127 : i32
      %and3A_283 = arith.andi %squeeze3A_281, %and3A_282 : i32
      %broadcast_in_dim3A_284 = vector.broadcast %and3A_283 : i32 to vector<16xi32>
      %gather3A_285 = tpu.vector_load_idx %arg13[%add3A_153, %broadcast_in_dim3A_277] : memref<64x128xf32, #tpu.memory_space<vmem>>[vector<16xi32>, vector<16xi32>], vector<16xf32>,
      %gather3A_286 = tpu.vector_load_idx %arg17[%add3A_153, %broadcast_in_dim3A_284] : memref<64x128xf32, #tpu.memory_space<vmem>>[vector<16xi32>, vector<16xi32>], vector<16xf32>,
      %mul3A_287 = arith.mulf %gather3A_285, %gather3A_286 : vector<16xf32>
      %add3A_288 = arith.addf %add3A_224, %mul3A_287 : vector<16xf32>
      %gather3A_289 = tpu.vector_load_idx %arg13[%add3A_157, %broadcast_in_dim3A_277] : memref<64x128xf32, #tpu.memory_space<vmem>>[vector<16xi32>, vector<16xi32>], vector<16xf32>,
      %gather3A_290 = tpu.vector_load_idx %arg17[%add3A_157, %broadcast_in_dim3A_284] : memref<64x128xf32, #tpu.memory_space<vmem>>[vector<16xi32>, vector<16xi32>], vector<16xf32>,
      %mul3A_291 = arith.mulf %gather3A_289, %gather3A_290 : vector<16xf32>
      %add3A_292 = arith.addf %add3A_228, %mul3A_291 : vector<16xf32>
      %gather3A_293 = tpu.vector_load_idx %arg13[%add3A_161, %broadcast_in_dim3A_277] : memref<64x128xf32, #tpu.memory_space<vmem>>[vector<16xi32>, vector<16xi32>], vector<16xf32>,
      %gather3A_294 = tpu.vector_load_idx %arg17[%add3A_161, %broadcast_in_dim3A_284] : memref<64x128xf32, #tpu.memory_space<vmem>>[vector<16xi32>, vector<16xi32>], vector<16xf32>,
      %mul3A_295 = arith.mulf %gather3A_293, %gather3A_294 : vector<16xf32>
      %add3A_296 = arith.addf %add3A_232, %mul3A_295 : vector<16xf32>
      %gather3A_297 = tpu.vector_load_idx %arg13[%add3A_165, %broadcast_in_dim3A_277] : memref<64x128xf32, #tpu.memory_space<vmem>>[vector<16xi32>, vector<16xi32>], vector<16xf32>,
      %gather3A_298 = tpu.vector_load_idx %arg17[%add3A_165, %broadcast_in_dim3A_284] : memref<64x128xf32, #tpu.memory_space<vmem>>[vector<16xi32>, vector<16xi32>], vector<16xf32>,
      %mul3A_299 = arith.mulf %gather3A_297, %gather3A_298 : vector<16xf32>
      %add3A_300 = arith.addf %add3A_236, %mul3A_299 : vector<16xf32>
      %gather3A_301 = tpu.vector_load_idx %arg21[%broadcast_in_dim3A_150, %broadcast_in_dim3A_277] : memref<1x128xf32, #tpu.memory_space<vmem>>[vector<16xi32>, vector<16xi32>], vector<16xf32>,
      %gather3A_302 = tpu.vector_load_idx %arg25[%broadcast_in_dim3A_150, %broadcast_in_dim3A_284] : memref<1x128xf32, #tpu.memory_space<vmem>>[vector<16xi32>, vector<16xi32>], vector<16xf32>,
      %broadcast_in_dim3A_303 = vector.broadcast %add3A_270 : i32 to vector<16xi32>
      %add3A_304 = arith.addf %gather3A_301, %gather3A_302 : vector<16xf32>
      tpu.vector_store_idx %arg28[%broadcast_in_dim3A_303], %add3A_304 : memref<512xf32, #tpu.memory_space<vmem>>[vector<16xi32>], vector<16xf32>,
      %lt3A_305 = arith.constant 127 : i32
      %lt3A_306 = arith.cmpi slt, %scan3A_177, %lt3A_305 : i32
      %convert_element_type3A_307 = arith.extui %lt3A_306 : i1 to i32
      %cond3A_308 = arith.constant 0 : i32
      %cond3A_309 = arith.cmpi ne, %convert_element_type3A_307, %cond3A_308 : i32
      scf.if %cond3A_309 {
        %add3A_444 = arith.constant 1 : i32
        %add3A_445 = arith.addi %scan3A_177, %add3A_444 : i32
        %mul3A_446 = arith.constant 4 : i32
        %mul3A_447 = arith.muli %add3A_445, %mul3A_446 : i32
        %add3A_448 = arith.constant 1 : i32
        %add3A_449 = arith.addi %mul3A_447, %add3A_448 : i32
        %get3A_450 = arith.index_cast %add3A_449 : i32 to index
        %get3A_451 = tpu.vector_load %arg10[%get3A_450] {strides = array<i32>} : memref<528xi32, #tpu.memory_space<vmem>>, vector<16xi32>,
        %slice3A_452 = vector.extract_strided_slice %get3A_451 {offsets = [0], sizes = [1], strides = [1]} : vector<16xi32> to vector<1xi32>
        %squeeze3A_453 = vector.extract %slice3A_452[0] : i32 from vector<1xi32>
        %shift_right_arithmetic3A_454 = arith.constant 7 : i32
        %shift_right_arithmetic3A_455 = arith.shrsi %squeeze3A_453, %shift_right_arithmetic3A_454 : i32
        %shift_left3A_456 = arith.constant 7 : i32
        %shift_left3A_457 = arith.shli %shift_right_arithmetic3A_455, %shift_left3A_456 : i32
        %multiple_of3A_458 = tpu.assume_multiple %shift_left3A_457, 128 : i32
        %get3A_459 = arith.index_cast %add3A_449 : i32 to index
        %get3A_460 = tpu.vector_load %arg11[%get3A_459] {strides = array<i32>} : memref<528xi32, #tpu.memory_space<vmem>>, vector<16xi32>,
        %slice3A_461 = vector.extract_strided_slice %get3A_460 {offsets = [0], sizes = [1], strides = [1]} : vector<16xi32> to vector<1xi32>
        %squeeze3A_462 = vector.extract %slice3A_461[0] : i32 from vector<1xi32>
        %shift_right_arithmetic3A_463 = arith.constant 7 : i32
        %shift_right_arithmetic3A_464 = arith.shrsi %squeeze3A_462, %shift_right_arithmetic3A_463 : i32
        %shift_left3A_465 = arith.constant 7 : i32
        %shift_left3A_466 = arith.shli %shift_right_arithmetic3A_464, %shift_left3A_465 : i32
        %multiple_of3A_467 = tpu.assume_multiple %shift_left3A_466, 128 : i32
        %dma_start3A_468 = arith.constant 0 : i32
        %dma_start3A_469 = tpu.memref_slice %arg4[%dma_start3A_468, %multiple_of3A_458] : memref<64x1000000xf32, #tpu.memory_space<hbm>> -> memref<64x128xf32, #tpu.memory_space<hbm>>
        %dma_start3A_470 = arith.constant 0 : i32
        %dma_start3A_471 = tpu.memref_slice %arg4[%dma_start3A_470, %multiple_of3A_458] : memref<64x1000000xf32, #tpu.memory_space<hbm>> -> memref<64x128xf32, #tpu.memory_space<hbm>>
        tpu.enqueue_dma source(%dma_start3A_471 : memref<64x128xf32, #tpu.memory_space<hbm>>) target(%arg13 : memref<64x128xf32, #tpu.memory_space<vmem>>) target_semaphore(%arg31 : memref<!tpu.dma_semaphore, #tpu.memory_space<semaphore_mem>>)
        %dma_start3A_472 = arith.constant 0 : i32
        %dma_start3A_473 = tpu.memref_slice %arg5[%dma_start3A_472, %multiple_of3A_467] : memref<64x1000000xf32, #tpu.memory_space<hbm>> -> memref<64x128xf32, #tpu.memory_space<hbm>>
        %dma_start3A_474 = arith.constant 0 : i32
        %dma_start3A_475 = tpu.memref_slice %arg5[%dma_start3A_474, %multiple_of3A_467] : memref<64x1000000xf32, #tpu.memory_space<hbm>> -> memref<64x128xf32, #tpu.memory_space<hbm>>
        tpu.enqueue_dma source(%dma_start3A_475 : memref<64x128xf32, #tpu.memory_space<hbm>>) target(%arg17 : memref<64x128xf32, #tpu.memory_space<vmem>>) target_semaphore(%arg35 : memref<!tpu.dma_semaphore, #tpu.memory_space<semaphore_mem>>)
        %dma_start3A_476 = arith.constant 0 : i32
        %dma_start3A_477 = tpu.memref_slice %arg6[%dma_start3A_476, %multiple_of3A_458] : memref<1x1000000xf32, #tpu.memory_space<hbm>> -> memref<1x128xf32, #tpu.memory_space<hbm>>
        %dma_start3A_478 = arith.constant 0 : i32
        %dma_start3A_479 = tpu.memref_slice %arg6[%dma_start3A_478, %multiple_of3A_458] : memref<1x1000000xf32, #tpu.memory_space<hbm>> -> memref<1x128xf32, #tpu.memory_space<hbm>>
        tpu.enqueue_dma source(%dma_start3A_479 : memref<1x128xf32, #tpu.memory_space<hbm>>) target(%arg21 : memref<1x128xf32, #tpu.memory_space<vmem>>) target_semaphore(%arg39 : memref<!tpu.dma_semaphore, #tpu.memory_space<semaphore_mem>>)
        %dma_start3A_480 = arith.constant 0 : i32
        %dma_start3A_481 = tpu.memref_slice %arg7[%dma_start3A_480, %multiple_of3A_467] : memref<1x1000000xf32, #tpu.memory_space<hbm>> -> memref<1x128xf32, #tpu.memory_space<hbm>>
        %dma_start3A_482 = arith.constant 0 : i32
        %dma_start3A_483 = tpu.memref_slice %arg7[%dma_start3A_482, %multiple_of3A_467] : memref<1x1000000xf32, #tpu.memory_space<hbm>> -> memref<1x128xf32, #tpu.memory_space<hbm>>
        tpu.enqueue_dma source(%dma_start3A_483 : memref<1x128xf32, #tpu.memory_space<hbm>>) target(%arg25 : memref<1x128xf32, #tpu.memory_space<vmem>>) target_semaphore(%arg43 : memref<!tpu.dma_semaphore, #tpu.memory_space<semaphore_mem>>)
      } else {
      }
      %dma_wait3A_310 = arith.constant 0 : i32
      %dma_wait3A_311 = arith.constant 0 : i32
      %dma_wait3A_312 = tpu.memref_slice %arg4[%dma_wait3A_310, %dma_wait3A_311] : memref<64x1000000xf32, #tpu.memory_space<hbm>> -> memref<64x128xf32, #tpu.memory_space<hbm>>
      %dma_wait3A_313 = arith.constant 0 : i32
      %dma_wait3A_314 = arith.constant 0 : i32
      %dma_wait3A_315 = tpu.memref_slice %arg4[%dma_wait3A_313, %dma_wait3A_314] : memref<64x1000000xf32, #tpu.memory_space<hbm>> -> memref<64x128xf32, #tpu.memory_space<hbm>>
      tpu.wait_dma2 semaphore(%arg32 : memref<!tpu.dma_semaphore, #tpu.memory_space<semaphore_mem>>) src(%dma_wait3A_315 : memref<64x128xf32, #tpu.memory_space<hbm>>) dst(%arg14 : memref<64x128xf32, #tpu.memory_space<vmem>>)
      %dma_wait3A_316 = arith.constant 0 : i32
      %dma_wait3A_317 = arith.constant 0 : i32
      %dma_wait3A_318 = tpu.memref_slice %arg5[%dma_wait3A_316, %dma_wait3A_317] : memref<64x1000000xf32, #tpu.memory_space<hbm>> -> memref<64x128xf32, #tpu.memory_space<hbm>>
      %dma_wait3A_319 = arith.constant 0 : i32
      %dma_wait3A_320 = arith.constant 0 : i32
      %dma_wait3A_321 = tpu.memref_slice %arg5[%dma_wait3A_319, %dma_wait3A_320] : memref<64x1000000xf32, #tpu.memory_space<hbm>> -> memref<64x128xf32, #tpu.memory_space<hbm>>
      tpu.wait_dma2 semaphore(%arg36 : memref<!tpu.dma_semaphore, #tpu.memory_space<semaphore_mem>>) src(%dma_wait3A_321 : memref<64x128xf32, #tpu.memory_space<hbm>>) dst(%arg18 : memref<64x128xf32, #tpu.memory_space<vmem>>)
      %dma_wait3A_322 = arith.constant 0 : i32
      %dma_wait3A_323 = arith.constant 0 : i32
      %dma_wait3A_324 = tpu.memref_slice %arg6[%dma_wait3A_322, %dma_wait3A_323] : memref<1x1000000xf32, #tpu.memory_space<hbm>> -> memref<1x128xf32, #tpu.memory_space<hbm>>
      %dma_wait3A_325 = arith.constant 0 : i32
      %dma_wait3A_326 = arith.constant 0 : i32
      %dma_wait3A_327 = tpu.memref_slice %arg6[%dma_wait3A_325, %dma_wait3A_326] : memref<1x1000000xf32, #tpu.memory_space<hbm>> -> memref<1x128xf32, #tpu.memory_space<hbm>>
      tpu.wait_dma2 semaphore(%arg40 : memref<!tpu.dma_semaphore, #tpu.memory_space<semaphore_mem>>) src(%dma_wait3A_327 : memref<1x128xf32, #tpu.memory_space<hbm>>) dst(%arg22 : memref<1x128xf32, #tpu.memory_space<vmem>>)
      %dma_wait3A_328 = arith.constant 0 : i32
      %dma_wait3A_329 = arith.constant 0 : i32
      %dma_wait3A_330 = tpu.memref_slice %arg7[%dma_wait3A_328, %dma_wait3A_329] : memref<1x1000000xf32, #tpu.memory_space<hbm>> -> memref<1x128xf32, #tpu.memory_space<hbm>>
      %dma_wait3A_331 = arith.constant 0 : i32
      %dma_wait3A_332 = arith.constant 0 : i32
      %dma_wait3A_333 = tpu.memref_slice %arg7[%dma_wait3A_331, %dma_wait3A_332] : memref<1x1000000xf32, #tpu.memory_space<hbm>> -> memref<1x128xf32, #tpu.memory_space<hbm>>
      tpu.wait_dma2 semaphore(%arg44 : memref<!tpu.dma_semaphore, #tpu.memory_space<semaphore_mem>>) src(%dma_wait3A_333 : memref<1x128xf32, #tpu.memory_space<hbm>>) dst(%arg26 : memref<1x128xf32, #tpu.memory_space<vmem>>)
      %mul3A_334 = arith.constant 4 : i32
      %mul3A_335 = arith.muli %scan3A_177, %mul3A_334 : i32
      %add3A_336 = arith.constant 2 : i32
      %add3A_337 = arith.addi %mul3A_335, %add3A_336 : i32
      %get3A_338 = arith.index_cast %add3A_337 : i32 to index
      %get3A_339 = tpu.vector_load %arg10[%get3A_338] {strides = array<i32>} : memref<528xi32, #tpu.memory_space<vmem>>, vector<16xi32>,
      %slice3A_340 = vector.extract_strided_slice %get3A_339 {offsets = [0], sizes = [1], strides = [1]} : vector<16xi32> to vector<1xi32>
      %squeeze3A_341 = vector.extract %slice3A_340[0] : i32 from vector<1xi32>
      %and3A_342 = arith.constant 127 : i32
      %and3A_343 = arith.andi %squeeze3A_341, %and3A_342 : i32
      %broadcast_in_dim3A_344 = vector.broadcast %and3A_343 : i32 to vector<16xi32>
      %get3A_345 = arith.index_cast %add3A_337 : i32 to index
      %get3A_346 = tpu.vector_load %arg11[%get3A_345] {strides = array<i32>} : memref<528xi32, #tpu.memory_space<vmem>>, vector<16xi32>,
      %slice3A_347 = vector.extract_strided_slice %get3A_346 {offsets = [0], sizes = [1], strides = [1]} : vector<16xi32> to vector<1xi32>
      %squeeze3A_348 = vector.extract %slice3A_347[0] : i32 from vector<1xi32>
      %and3A_349 = arith.constant 127 : i32
      %and3A_350 = arith.andi %squeeze3A_348, %and3A_349 : i32
      %broadcast_in_dim3A_351 = vector.broadcast %and3A_350 : i32 to vector<16xi32>
      %gather3A_352 = tpu.vector_load_idx %arg14[%add3A_153, %broadcast_in_dim3A_344] : memref<64x128xf32, #tpu.memory_space<vmem>>[vector<16xi32>, vector<16xi32>], vector<16xf32>,
      %gather3A_353 = tpu.vector_load_idx %arg18[%add3A_153, %broadcast_in_dim3A_351] : memref<64x128xf32, #tpu.memory_space<vmem>>[vector<16xi32>, vector<16xi32>], vector<16xf32>,
      %mul3A_354 = arith.mulf %gather3A_352, %gather3A_353 : vector<16xf32>
      %add3A_355 = arith.addf %add3A_288, %mul3A_354 : vector<16xf32>
      %gather3A_356 = tpu.vector_load_idx %arg14[%add3A_157, %broadcast_in_dim3A_344] : memref<64x128xf32, #tpu.memory_space<vmem>>[vector<16xi32>, vector<16xi32>], vector<16xf32>,
      %gather3A_357 = tpu.vector_load_idx %arg18[%add3A_157, %broadcast_in_dim3A_351] : memref<64x128xf32, #tpu.memory_space<vmem>>[vector<16xi32>, vector<16xi32>], vector<16xf32>,
      %mul3A_358 = arith.mulf %gather3A_356, %gather3A_357 : vector<16xf32>
      %add3A_359 = arith.addf %add3A_292, %mul3A_358 : vector<16xf32>
      %gather3A_360 = tpu.vector_load_idx %arg14[%add3A_161, %broadcast_in_dim3A_344] : memref<64x128xf32, #tpu.memory_space<vmem>>[vector<16xi32>, vector<16xi32>], vector<16xf32>,
      %gather3A_361 = tpu.vector_load_idx %arg18[%add3A_161, %broadcast_in_dim3A_351] : memref<64x128xf32, #tpu.memory_space<vmem>>[vector<16xi32>, vector<16xi32>], vector<16xf32>,
      %mul3A_362 = arith.mulf %gather3A_360, %gather3A_361 : vector<16xf32>
      %add3A_363 = arith.addf %add3A_296, %mul3A_362 : vector<16xf32>
      %gather3A_364 = tpu.vector_load_idx %arg14[%add3A_165, %broadcast_in_dim3A_344] : memref<64x128xf32, #tpu.memory_space<vmem>>[vector<16xi32>, vector<16xi32>], vector<16xf32>,
      %gather3A_365 = tpu.vector_load_idx %arg18[%add3A_165, %broadcast_in_dim3A_351] : memref<64x128xf32, #tpu.memory_space<vmem>>[vector<16xi32>, vector<16xi32>], vector<16xf32>,
      %mul3A_366 = arith.mulf %gather3A_364, %gather3A_365 : vector<16xf32>
      %add3A_367 = arith.addf %add3A_300, %mul3A_366 : vector<16xf32>
      %gather3A_368 = tpu.vector_load_idx %arg22[%broadcast_in_dim3A_150, %broadcast_in_dim3A_344] : memref<1x128xf32, #tpu.memory_space<vmem>>[vector<16xi32>, vector<16xi32>], vector<16xf32>,
      %gather3A_369 = tpu.vector_load_idx %arg26[%broadcast_in_dim3A_150, %broadcast_in_dim3A_351] : memref<1x128xf32, #tpu.memory_space<vmem>>[vector<16xi32>, vector<16xi32>], vector<16xf32>,
      %broadcast_in_dim3A_370 = vector.broadcast %add3A_337 : i32 to vector<16xi32>
      %add3A_371 = arith.addf %gather3A_368, %gather3A_369 : vector<16xf32>
      tpu.vector_store_idx %arg28[%broadcast_in_dim3A_370], %add3A_371 : memref<512xf32, #tpu.memory_space<vmem>>[vector<16xi32>], vector<16xf32>,
      %lt3A_372 = arith.constant 127 : i32
      %lt3A_373 = arith.cmpi slt, %scan3A_177, %lt3A_372 : i32
      %convert_element_type3A_374 = arith.extui %lt3A_373 : i1 to i32
      %cond3A_375 = arith.constant 0 : i32
      %cond3A_376 = arith.cmpi ne, %convert_element_type3A_374, %cond3A_375 : i32
      scf.if %cond3A_376 {
        %add3A_444 = arith.constant 1 : i32
        %add3A_445 = arith.addi %scan3A_177, %add3A_444 : i32
        %mul3A_446 = arith.constant 4 : i32
        %mul3A_447 = arith.muli %add3A_445, %mul3A_446 : i32
        %add3A_448 = arith.constant 2 : i32
        %add3A_449 = arith.addi %mul3A_447, %add3A_448 : i32
        %get3A_450 = arith.index_cast %add3A_449 : i32 to index
        %get3A_451 = tpu.vector_load %arg10[%get3A_450] {strides = array<i32>} : memref<528xi32, #tpu.memory_space<vmem>>, vector<16xi32>,
        %slice3A_452 = vector.extract_strided_slice %get3A_451 {offsets = [0], sizes = [1], strides = [1]} : vector<16xi32> to vector<1xi32>
        %squeeze3A_453 = vector.extract %slice3A_452[0] : i32 from vector<1xi32>
        %shift_right_arithmetic3A_454 = arith.constant 7 : i32
        %shift_right_arithmetic3A_455 = arith.shrsi %squeeze3A_453, %shift_right_arithmetic3A_454 : i32
        %shift_left3A_456 = arith.constant 7 : i32
        %shift_left3A_457 = arith.shli %shift_right_arithmetic3A_455, %shift_left3A_456 : i32
        %multiple_of3A_458 = tpu.assume_multiple %shift_left3A_457, 128 : i32
        %get3A_459 = arith.index_cast %add3A_449 : i32 to index
        %get3A_460 = tpu.vector_load %arg11[%get3A_459] {strides = array<i32>} : memref<528xi32, #tpu.memory_space<vmem>>, vector<16xi32>,
        %slice3A_461 = vector.extract_strided_slice %get3A_460 {offsets = [0], sizes = [1], strides = [1]} : vector<16xi32> to vector<1xi32>
        %squeeze3A_462 = vector.extract %slice3A_461[0] : i32 from vector<1xi32>
        %shift_right_arithmetic3A_463 = arith.constant 7 : i32
        %shift_right_arithmetic3A_464 = arith.shrsi %squeeze3A_462, %shift_right_arithmetic3A_463 : i32
        %shift_left3A_465 = arith.constant 7 : i32
        %shift_left3A_466 = arith.shli %shift_right_arithmetic3A_464, %shift_left3A_465 : i32
        %multiple_of3A_467 = tpu.assume_multiple %shift_left3A_466, 128 : i32
        %dma_start3A_468 = arith.constant 0 : i32
        %dma_start3A_469 = tpu.memref_slice %arg4[%dma_start3A_468, %multiple_of3A_458] : memref<64x1000000xf32, #tpu.memory_space<hbm>> -> memref<64x128xf32, #tpu.memory_space<hbm>>
        %dma_start3A_470 = arith.constant 0 : i32
        %dma_start3A_471 = tpu.memref_slice %arg4[%dma_start3A_470, %multiple_of3A_458] : memref<64x1000000xf32, #tpu.memory_space<hbm>> -> memref<64x128xf32, #tpu.memory_space<hbm>>
        tpu.enqueue_dma source(%dma_start3A_471 : memref<64x128xf32, #tpu.memory_space<hbm>>) target(%arg14 : memref<64x128xf32, #tpu.memory_space<vmem>>) target_semaphore(%arg32 : memref<!tpu.dma_semaphore, #tpu.memory_space<semaphore_mem>>)
        %dma_start3A_472 = arith.constant 0 : i32
        %dma_start3A_473 = tpu.memref_slice %arg5[%dma_start3A_472, %multiple_of3A_467] : memref<64x1000000xf32, #tpu.memory_space<hbm>> -> memref<64x128xf32, #tpu.memory_space<hbm>>
        %dma_start3A_474 = arith.constant 0 : i32
        %dma_start3A_475 = tpu.memref_slice %arg5[%dma_start3A_474, %multiple_of3A_467] : memref<64x1000000xf32, #tpu.memory_space<hbm>> -> memref<64x128xf32, #tpu.memory_space<hbm>>
        tpu.enqueue_dma source(%dma_start3A_475 : memref<64x128xf32, #tpu.memory_space<hbm>>) target(%arg18 : memref<64x128xf32, #tpu.memory_space<vmem>>) target_semaphore(%arg36 : memref<!tpu.dma_semaphore, #tpu.memory_space<semaphore_mem>>)
        %dma_start3A_476 = arith.constant 0 : i32
        %dma_start3A_477 = tpu.memref_slice %arg6[%dma_start3A_476, %multiple_of3A_458] : memref<1x1000000xf32, #tpu.memory_space<hbm>> -> memref<1x128xf32, #tpu.memory_space<hbm>>
        %dma_start3A_478 = arith.constant 0 : i32
        %dma_start3A_479 = tpu.memref_slice %arg6[%dma_start3A_478, %multiple_of3A_458] : memref<1x1000000xf32, #tpu.memory_space<hbm>> -> memref<1x128xf32, #tpu.memory_space<hbm>>
        tpu.enqueue_dma source(%dma_start3A_479 : memref<1x128xf32, #tpu.memory_space<hbm>>) target(%arg22 : memref<1x128xf32, #tpu.memory_space<vmem>>) target_semaphore(%arg40 : memref<!tpu.dma_semaphore, #tpu.memory_space<semaphore_mem>>)
        %dma_start3A_480 = arith.constant 0 : i32
        %dma_start3A_481 = tpu.memref_slice %arg7[%dma_start3A_480, %multiple_of3A_467] : memref<1x1000000xf32, #tpu.memory_space<hbm>> -> memref<1x128xf32, #tpu.memory_space<hbm>>
        %dma_start3A_482 = arith.constant 0 : i32
        %dma_start3A_483 = tpu.memref_slice %arg7[%dma_start3A_482, %multiple_of3A_467] : memref<1x1000000xf32, #tpu.memory_space<hbm>> -> memref<1x128xf32, #tpu.memory_space<hbm>>
        tpu.enqueue_dma source(%dma_start3A_483 : memref<1x128xf32, #tpu.memory_space<hbm>>) target(%arg26 : memref<1x128xf32, #tpu.memory_space<vmem>>) target_semaphore(%arg44 : memref<!tpu.dma_semaphore, #tpu.memory_space<semaphore_mem>>)
      } else {
      }
      %dma_wait3A_377 = arith.constant 0 : i32
      %dma_wait3A_378 = arith.constant 0 : i32
      %dma_wait3A_379 = tpu.memref_slice %arg4[%dma_wait3A_377, %dma_wait3A_378] : memref<64x1000000xf32, #tpu.memory_space<hbm>> -> memref<64x128xf32, #tpu.memory_space<hbm>>
      %dma_wait3A_380 = arith.constant 0 : i32
      %dma_wait3A_381 = arith.constant 0 : i32
      %dma_wait3A_382 = tpu.memref_slice %arg4[%dma_wait3A_380, %dma_wait3A_381] : memref<64x1000000xf32, #tpu.memory_space<hbm>> -> memref<64x128xf32, #tpu.memory_space<hbm>>
      tpu.wait_dma2 semaphore(%arg33 : memref<!tpu.dma_semaphore, #tpu.memory_space<semaphore_mem>>) src(%dma_wait3A_382 : memref<64x128xf32, #tpu.memory_space<hbm>>) dst(%arg15 : memref<64x128xf32, #tpu.memory_space<vmem>>)
      %dma_wait3A_383 = arith.constant 0 : i32
      %dma_wait3A_384 = arith.constant 0 : i32
      %dma_wait3A_385 = tpu.memref_slice %arg5[%dma_wait3A_383, %dma_wait3A_384] : memref<64x1000000xf32, #tpu.memory_space<hbm>> -> memref<64x128xf32, #tpu.memory_space<hbm>>
      %dma_wait3A_386 = arith.constant 0 : i32
      %dma_wait3A_387 = arith.constant 0 : i32
      %dma_wait3A_388 = tpu.memref_slice %arg5[%dma_wait3A_386, %dma_wait3A_387] : memref<64x1000000xf32, #tpu.memory_space<hbm>> -> memref<64x128xf32, #tpu.memory_space<hbm>>
      tpu.wait_dma2 semaphore(%arg37 : memref<!tpu.dma_semaphore, #tpu.memory_space<semaphore_mem>>) src(%dma_wait3A_388 : memref<64x128xf32, #tpu.memory_space<hbm>>) dst(%arg19 : memref<64x128xf32, #tpu.memory_space<vmem>>)
      %dma_wait3A_389 = arith.constant 0 : i32
      %dma_wait3A_390 = arith.constant 0 : i32
      %dma_wait3A_391 = tpu.memref_slice %arg6[%dma_wait3A_389, %dma_wait3A_390] : memref<1x1000000xf32, #tpu.memory_space<hbm>> -> memref<1x128xf32, #tpu.memory_space<hbm>>
      %dma_wait3A_392 = arith.constant 0 : i32
      %dma_wait3A_393 = arith.constant 0 : i32
      %dma_wait3A_394 = tpu.memref_slice %arg6[%dma_wait3A_392, %dma_wait3A_393] : memref<1x1000000xf32, #tpu.memory_space<hbm>> -> memref<1x128xf32, #tpu.memory_space<hbm>>
      tpu.wait_dma2 semaphore(%arg41 : memref<!tpu.dma_semaphore, #tpu.memory_space<semaphore_mem>>) src(%dma_wait3A_394 : memref<1x128xf32, #tpu.memory_space<hbm>>) dst(%arg23 : memref<1x128xf32, #tpu.memory_space<vmem>>)
      %dma_wait3A_395 = arith.constant 0 : i32
      %dma_wait3A_396 = arith.constant 0 : i32
      %dma_wait3A_397 = tpu.memref_slice %arg7[%dma_wait3A_395, %dma_wait3A_396] : memref<1x1000000xf32, #tpu.memory_space<hbm>> -> memref<1x128xf32, #tpu.memory_space<hbm>>
      %dma_wait3A_398 = arith.constant 0 : i32
      %dma_wait3A_399 = arith.constant 0 : i32
      %dma_wait3A_400 = tpu.memref_slice %arg7[%dma_wait3A_398, %dma_wait3A_399] : memref<1x1000000xf32, #tpu.memory_space<hbm>> -> memref<1x128xf32, #tpu.memory_space<hbm>>
      tpu.wait_dma2 semaphore(%arg45 : memref<!tpu.dma_semaphore, #tpu.memory_space<semaphore_mem>>) src(%dma_wait3A_400 : memref<1x128xf32, #tpu.memory_space<hbm>>) dst(%arg27 : memref<1x128xf32, #tpu.memory_space<vmem>>)
      %mul3A_401 = arith.constant 4 : i32
      %mul3A_402 = arith.muli %scan3A_177, %mul3A_401 : i32
      %add3A_403 = arith.constant 3 : i32
      %add3A_404 = arith.addi %mul3A_402, %add3A_403 : i32
      %get3A_405 = arith.index_cast %add3A_404 : i32 to index
      %get3A_406 = tpu.vector_load %arg10[%get3A_405] {strides = array<i32>} : memref<528xi32, #tpu.memory_space<vmem>>, vector<16xi32>,
      %slice3A_407 = vector.extract_strided_slice %get3A_406 {offsets = [0], sizes = [1], strides = [1]} : vector<16xi32> to vector<1xi32>
      %squeeze3A_408 = vector.extract %slice3A_407[0] : i32 from vector<1xi32>
      %and3A_409 = arith.constant 127 : i32
      %and3A_410 = arith.andi %squeeze3A_408, %and3A_409 : i32
      %broadcast_in_dim3A_411 = vector.broadcast %and3A_410 : i32 to vector<16xi32>
      %get3A_412 = arith.index_cast %add3A_404 : i32 to index
      %get3A_413 = tpu.vector_load %arg11[%get3A_412] {strides = array<i32>} : memref<528xi32, #tpu.memory_space<vmem>>, vector<16xi32>,
      %slice3A_414 = vector.extract_strided_slice %get3A_413 {offsets = [0], sizes = [1], strides = [1]} : vector<16xi32> to vector<1xi32>
      %squeeze3A_415 = vector.extract %slice3A_414[0] : i32 from vector<1xi32>
      %and3A_416 = arith.constant 127 : i32
      %and3A_417 = arith.andi %squeeze3A_415, %and3A_416 : i32
      %broadcast_in_dim3A_418 = vector.broadcast %and3A_417 : i32 to vector<16xi32>
      %gather3A_419 = tpu.vector_load_idx %arg15[%add3A_153, %broadcast_in_dim3A_411] : memref<64x128xf32, #tpu.memory_space<vmem>>[vector<16xi32>, vector<16xi32>], vector<16xf32>,
      %gather3A_420 = tpu.vector_load_idx %arg19[%add3A_153, %broadcast_in_dim3A_418] : memref<64x128xf32, #tpu.memory_space<vmem>>[vector<16xi32>, vector<16xi32>], vector<16xf32>,
      %mul3A_421 = arith.mulf %gather3A_419, %gather3A_420 : vector<16xf32>
      %add3A_422 = arith.addf %add3A_355, %mul3A_421 : vector<16xf32>
      %gather3A_423 = tpu.vector_load_idx %arg15[%add3A_157, %broadcast_in_dim3A_411] : memref<64x128xf32, #tpu.memory_space<vmem>>[vector<16xi32>, vector<16xi32>], vector<16xf32>,
      %gather3A_424 = tpu.vector_load_idx %arg19[%add3A_157, %broadcast_in_dim3A_418] : memref<64x128xf32, #tpu.memory_space<vmem>>[vector<16xi32>, vector<16xi32>], vector<16xf32>,
      %mul3A_425 = arith.mulf %gather3A_423, %gather3A_424 : vector<16xf32>
      %add3A_426 = arith.addf %add3A_359, %mul3A_425 : vector<16xf32>
      %gather3A_427 = tpu.vector_load_idx %arg15[%add3A_161, %broadcast_in_dim3A_411] : memref<64x128xf32, #tpu.memory_space<vmem>>[vector<16xi32>, vector<16xi32>], vector<16xf32>,
      %gather3A_428 = tpu.vector_load_idx %arg19[%add3A_161, %broadcast_in_dim3A_418] : memref<64x128xf32, #tpu.memory_space<vmem>>[vector<16xi32>, vector<16xi32>], vector<16xf32>,
      %mul3A_429 = arith.mulf %gather3A_427, %gather3A_428 : vector<16xf32>
      %add3A_430 = arith.addf %add3A_363, %mul3A_429 : vector<16xf32>
      %gather3A_431 = tpu.vector_load_idx %arg15[%add3A_165, %broadcast_in_dim3A_411] : memref<64x128xf32, #tpu.memory_space<vmem>>[vector<16xi32>, vector<16xi32>], vector<16xf32>,
      %gather3A_432 = tpu.vector_load_idx %arg19[%add3A_165, %broadcast_in_dim3A_418] : memref<64x128xf32, #tpu.memory_space<vmem>>[vector<16xi32>, vector<16xi32>], vector<16xf32>,
      %mul3A_433 = arith.mulf %gather3A_431, %gather3A_432 : vector<16xf32>
      %add3A_434 = arith.addf %add3A_367, %mul3A_433 : vector<16xf32>
      %gather3A_435 = tpu.vector_load_idx %arg23[%broadcast_in_dim3A_150, %broadcast_in_dim3A_411] : memref<1x128xf32, #tpu.memory_space<vmem>>[vector<16xi32>, vector<16xi32>], vector<16xf32>,
      %gather3A_436 = tpu.vector_load_idx %arg27[%broadcast_in_dim3A_150, %broadcast_in_dim3A_418] : memref<1x128xf32, #tpu.memory_space<vmem>>[vector<16xi32>, vector<16xi32>], vector<16xf32>,
      %broadcast_in_dim3A_437 = vector.broadcast %add3A_404 : i32 to vector<16xi32>
      %add3A_438 = arith.addf %gather3A_435, %gather3A_436 : vector<16xf32>
      tpu.vector_store_idx %arg28[%broadcast_in_dim3A_437], %add3A_438 : memref<512xf32, #tpu.memory_space<vmem>>[vector<16xi32>], vector<16xf32>,
      %lt3A_439 = arith.constant 127 : i32
      %lt3A_440 = arith.cmpi slt, %scan3A_177, %lt3A_439 : i32
      %convert_element_type3A_441 = arith.extui %lt3A_440 : i1 to i32
      %cond3A_442 = arith.constant 0 : i32
      %cond3A_443 = arith.cmpi ne, %convert_element_type3A_441, %cond3A_442 : i32
      scf.if %cond3A_443 {
        %add3A_444 = arith.constant 1 : i32
        %add3A_445 = arith.addi %scan3A_177, %add3A_444 : i32
        %mul3A_446 = arith.constant 4 : i32
        %mul3A_447 = arith.muli %add3A_445, %mul3A_446 : i32
        %add3A_448 = arith.constant 3 : i32
        %add3A_449 = arith.addi %mul3A_447, %add3A_448 : i32
        %get3A_450 = arith.index_cast %add3A_449 : i32 to index
        %get3A_451 = tpu.vector_load %arg10[%get3A_450] {strides = array<i32>} : memref<528xi32, #tpu.memory_space<vmem>>, vector<16xi32>,
        %slice3A_452 = vector.extract_strided_slice %get3A_451 {offsets = [0], sizes = [1], strides = [1]} : vector<16xi32> to vector<1xi32>
        %squeeze3A_453 = vector.extract %slice3A_452[0] : i32 from vector<1xi32>
        %shift_right_arithmetic3A_454 = arith.constant 7 : i32
        %shift_right_arithmetic3A_455 = arith.shrsi %squeeze3A_453, %shift_right_arithmetic3A_454 : i32
        %shift_left3A_456 = arith.constant 7 : i32
        %shift_left3A_457 = arith.shli %shift_right_arithmetic3A_455, %shift_left3A_456 : i32
        %multiple_of3A_458 = tpu.assume_multiple %shift_left3A_457, 128 : i32
        %get3A_459 = arith.index_cast %add3A_449 : i32 to index
        %get3A_460 = tpu.vector_load %arg11[%get3A_459] {strides = array<i32>} : memref<528xi32, #tpu.memory_space<vmem>>, vector<16xi32>,
        %slice3A_461 = vector.extract_strided_slice %get3A_460 {offsets = [0], sizes = [1], strides = [1]} : vector<16xi32> to vector<1xi32>
        %squeeze3A_462 = vector.extract %slice3A_461[0] : i32 from vector<1xi32>
        %shift_right_arithmetic3A_463 = arith.constant 7 : i32
        %shift_right_arithmetic3A_464 = arith.shrsi %squeeze3A_462, %shift_right_arithmetic3A_463 : i32
        %shift_left3A_465 = arith.constant 7 : i32
        %shift_left3A_466 = arith.shli %shift_right_arithmetic3A_464, %shift_left3A_465 : i32
        %multiple_of3A_467 = tpu.assume_multiple %shift_left3A_466, 128 : i32
        %dma_start3A_468 = arith.constant 0 : i32
        %dma_start3A_469 = tpu.memref_slice %arg4[%dma_start3A_468, %multiple_of3A_458] : memref<64x1000000xf32, #tpu.memory_space<hbm>> -> memref<64x128xf32, #tpu.memory_space<hbm>>
        %dma_start3A_470 = arith.constant 0 : i32
        %dma_start3A_471 = tpu.memref_slice %arg4[%dma_start3A_470, %multiple_of3A_458] : memref<64x1000000xf32, #tpu.memory_space<hbm>> -> memref<64x128xf32, #tpu.memory_space<hbm>>
        tpu.enqueue_dma source(%dma_start3A_471 : memref<64x128xf32, #tpu.memory_space<hbm>>) target(%arg15 : memref<64x128xf32, #tpu.memory_space<vmem>>) target_semaphore(%arg33 : memref<!tpu.dma_semaphore, #tpu.memory_space<semaphore_mem>>)
        %dma_start3A_472 = arith.constant 0 : i32
        %dma_start3A_473 = tpu.memref_slice %arg5[%dma_start3A_472, %multiple_of3A_467] : memref<64x1000000xf32, #tpu.memory_space<hbm>> -> memref<64x128xf32, #tpu.memory_space<hbm>>
        %dma_start3A_474 = arith.constant 0 : i32
        %dma_start3A_475 = tpu.memref_slice %arg5[%dma_start3A_474, %multiple_of3A_467] : memref<64x1000000xf32, #tpu.memory_space<hbm>> -> memref<64x128xf32, #tpu.memory_space<hbm>>
        tpu.enqueue_dma source(%dma_start3A_475 : memref<64x128xf32, #tpu.memory_space<hbm>>) target(%arg19 : memref<64x128xf32, #tpu.memory_space<vmem>>) target_semaphore(%arg37 : memref<!tpu.dma_semaphore, #tpu.memory_space<semaphore_mem>>)
        %dma_start3A_476 = arith.constant 0 : i32
        %dma_start3A_477 = tpu.memref_slice %arg6[%dma_start3A_476, %multiple_of3A_458] : memref<1x1000000xf32, #tpu.memory_space<hbm>> -> memref<1x128xf32, #tpu.memory_space<hbm>>
        %dma_start3A_478 = arith.constant 0 : i32
        %dma_start3A_479 = tpu.memref_slice %arg6[%dma_start3A_478, %multiple_of3A_458] : memref<1x1000000xf32, #tpu.memory_space<hbm>> -> memref<1x128xf32, #tpu.memory_space<hbm>>
        tpu.enqueue_dma source(%dma_start3A_479 : memref<1x128xf32, #tpu.memory_space<hbm>>) target(%arg23 : memref<1x128xf32, #tpu.memory_space<vmem>>) target_semaphore(%arg41 : memref<!tpu.dma_semaphore, #tpu.memory_space<semaphore_mem>>)
        %dma_start3A_480 = arith.constant 0 : i32
        %dma_start3A_481 = tpu.memref_slice %arg7[%dma_start3A_480, %multiple_of3A_467] : memref<1x1000000xf32, #tpu.memory_space<hbm>> -> memref<1x128xf32, #tpu.memory_space<hbm>>
        %dma_start3A_482 = arith.constant 0 : i32
        %dma_start3A_483 = tpu.memref_slice %arg7[%dma_start3A_482, %multiple_of3A_467] : memref<1x1000000xf32, #tpu.memory_space<hbm>> -> memref<1x128xf32, #tpu.memory_space<hbm>>
        tpu.enqueue_dma source(%dma_start3A_483 : memref<1x128xf32, #tpu.memory_space<hbm>>) target(%arg27 : memref<1x128xf32, #tpu.memory_space<vmem>>) target_semaphore(%arg45 : memref<!tpu.dma_semaphore, #tpu.memory_space<semaphore_mem>>)
      } else {
      }
      scf.yield %add3A_422, %add3A_426, %add3A_430, %add3A_434 : vector<16xf32>, vector<16xf32>, vector<16xf32>, vector<16xf32>
    }
    %scan3A_170 = arith.constant 128 : i32
    %add3A_171 = arith.addf %scan3A_169#0, %scan3A_169#1 : vector<16xf32>
    %add3A_172 = arith.addf %scan3A_169#2, %scan3A_169#3 : vector<16xf32>
    %add3A_173 = arith.addf %add3A_171, %add3A_172 : vector<16xf32>
    %swap3A = arith.constant 0 : i32
    %swap3A_174 = arith.index_cast %swap3A : i32 to index
    %swap3A_175 = arith.constant 0 : index
    %swap3A_176 = tpu.vector_load %arg29[%swap3A_174, %swap3A_175] {strides = array<i32>} : memref<1x16xf32, #tpu.memory_space<vmem>>, vector<16xf32>,
    tpu.vector_store %arg29[%swap3A_174, %swap3A_175], %add3A_173 {strides = array<i32>} : memref<1x16xf32, #tpu.memory_space<vmem>>, vector<16xf32>,
    "tpu.region"() ({
      %run_scoped3A = tpu.sem_alloc : memref<!tpu.dma_semaphore, #tpu.memory_space<semaphore_mem>>
      %dma_start3A_177 = arith.constant 0 : i32
      %dma_start3A_178 = tpu.memref_slice %arg8[%add3A, %dma_start3A_177] : memref<32x16xf32, #tpu.memory_space<hbm>> -> memref<1x16xf32, #tpu.memory_space<hbm>>
      %dma_start3A_179 = arith.constant 0 : i32
      %dma_start3A_180 = tpu.memref_slice %arg8[%add3A, %dma_start3A_179] : memref<32x16xf32, #tpu.memory_space<hbm>> -> memref<1x16xf32, #tpu.memory_space<hbm>>
      tpu.enqueue_dma source(%arg29 : memref<1x16xf32, #tpu.memory_space<vmem>>) target(%dma_start3A_180 : memref<1x16xf32, #tpu.memory_space<hbm>>) target_semaphore(%run_scoped3A : memref<!tpu.dma_semaphore, #tpu.memory_space<semaphore_mem>>)
      %dma_wait3A = arith.constant 0 : i32
      %dma_wait3A_181 = tpu.memref_slice %arg8[%add3A, %dma_wait3A] : memref<32x16xf32, #tpu.memory_space<hbm>> -> memref<1x16xf32, #tpu.memory_space<hbm>>
      %dma_wait3A_182 = arith.constant 0 : i32
      %dma_wait3A_183 = tpu.memref_slice %arg8[%add3A, %dma_wait3A_182] : memref<32x16xf32, #tpu.memory_space<hbm>> -> memref<1x16xf32, #tpu.memory_space<hbm>>
      tpu.wait_dma2 semaphore(%run_scoped3A : memref<!tpu.dma_semaphore, #tpu.memory_space<semaphore_mem>>) src(%arg29 : memref<1x16xf32, #tpu.memory_space<vmem>>) dst(%dma_wait3A_183 : memref<1x16xf32, #tpu.memory_space<hbm>>)
      tpu.yield
    }) : () -> ()
    "tpu.region"() ({
      %run_scoped3A = tpu.sem_alloc : memref<!tpu.dma_semaphore, #tpu.memory_space<semaphore_mem>>
      %dma_start3A_177 = tpu.memref_slice %arg9[%mul3A_2] : memref<16384xf32, #tpu.memory_space<hbm>> -> memref<512xf32, #tpu.memory_space<hbm>>
      %dma_start3A_178 = tpu.memref_slice %arg9[%mul3A_2] : memref<16384xf32, #tpu.memory_space<hbm>> -> memref<512xf32, #tpu.memory_space<hbm>>
      tpu.enqueue_dma source(%arg28 : memref<512xf32, #tpu.memory_space<vmem>>) target(%dma_start3A_178 : memref<512xf32, #tpu.memory_space<hbm>>) target_semaphore(%run_scoped3A : memref<!tpu.dma_semaphore, #tpu.memory_space<semaphore_mem>>)
      %dma_wait3A = tpu.memref_slice %arg9[%mul3A_2] : memref<16384xf32, #tpu.memory_space<hbm>> -> memref<512xf32, #tpu.memory_space<hbm>>
      %dma_wait3A_179 = tpu.memref_slice %arg9[%mul3A_2] : memref<16384xf32, #tpu.memory_space<hbm>> -> memref<512xf32, #tpu.memory_space<hbm>>
      tpu.wait_dma2 semaphore(%run_scoped3A : memref<!tpu.dma_semaphore, #tpu.memory_space<semaphore_mem>>) src(%arg28 : memref<512xf32, #tpu.memory_space<vmem>>) dst(%dma_wait3A_179 : memref<512xf32, #tpu.memory_space<hbm>>)
      tpu.yield
    }) : () -> ()
    return
  }
}

module attributes {stable_mosaic.version = 14 : i64} {
  func.func @_tc_body(%arg0: memref<32x16xf32, #tpu.memory_space<vmem>>, %arg1: memref<128x128xf32, #tpu.memory_space<vmem>>, %arg2: memref<128x128xf32, #tpu.memory_space<vmem>>) attributes {dimension_semantics = [], scalar_prefetch = 0 : i64, scratch_operands = 0 : i64, tpu.core_type = #tpu.core_type<tc>} {
    %get3A = arith.constant 0 : index
    %get3A_0 = arith.constant 0 : index
    %get3A_1 = vector.load %arg0[%get3A, %get3A_0] : memref<32x16xf32, #tpu.memory_space<vmem>>, vector<32x16xf32>
    %reduce_sum3A = vector.shape_cast %get3A_1 : vector<32x16xf32> to vector<1x32x16xf32>
    %reduce_sum3A_2 = arith.constant dense<0.000000e+00> : vector<1xf32>
    %reduce_sum3A_3 = vector.multi_reduction <add>, %reduce_sum3A, %reduce_sum3A_2 [1, 2] : vector<1x32x16xf32> to vector<1xf32>
    %reduce_sum3A_4 = vector.shape_cast %reduce_sum3A_3 : vector<1xf32> to vector<1x1x1xf32>
    %reduce_sum3A_5 = vector.extract %reduce_sum3A_4[0, 0, 0] : f32 from vector<1x1x1xf32>
    %get3A_6 = arith.constant 0 : index
    %get3A_7 = arith.constant 0 : index
    %get3A_8 = vector.load %arg1[%get3A_6, %get3A_7] : memref<128x128xf32, #tpu.memory_space<vmem>>, vector<128x128xf32>
    %add3A = vector.broadcast %reduce_sum3A_5 : f32 to vector<128x128xf32>
    %add3A_9 = arith.addf %get3A_8, %add3A : vector<128x128xf32>
    %logistic3A = arith.negf %add3A_9 : vector<128x128xf32>
    %logistic3A_10 = math.exp %logistic3A : vector<128x128xf32>
    %logistic3A_11 = arith.constant 1.000000e+00 : f32
    %logistic3A_12 = vector.broadcast %logistic3A_11 : f32 to vector<128x128xf32>
    %logistic3A_13 = arith.addf %logistic3A_12, %logistic3A_10 : vector<128x128xf32>
    %logistic3A_14 = arith.divf %logistic3A_12, %logistic3A_13 : vector<128x128xf32>
    %swap3A = arith.constant 0 : index
    %swap3A_15 = arith.constant 0 : index
    %swap3A_16 = vector.load %arg2[%swap3A, %swap3A_15] : memref<128x128xf32, #tpu.memory_space<vmem>>, vector<128x128xf32>
    tpu.vector_store %arg2[%swap3A, %swap3A_15], %logistic3A_14 {strides = array<i32>} : memref<128x128xf32, #tpu.memory_space<vmem>>, vector<128x128xf32>,
    return
  }
}

</mosaic_0001>

<sc_bundles>
// kernel: kernel.4.cloned.1.call-start
scs
__scs_entry_jumppad:
0x0: {  	(pc) =	sbr.rel $0x88, $3  }
0x1: {  	(tag) =	ssettag $0x0;
	lr =	simm.s32 $0x1  }
0x2: {  	[smem:$0x3F9C] =	sst lr;
	_ =	strace $0xD0000000  }
0x3: {  	_ = 	snop  }
0x4: {  	_ = 	snop  }
0x5: {  	_ = 	snop  }
0x6: {  	_ = 	snop  }
0x7: {  	_ = 	snop  }
__scs_overlays_trampoline_lowered:
0x8: {  	[smem:$0x3FAB] =	sst s0  }
0x9: {  	[smem:$0x3FAC] =	sst s1  }
0xa: {  	[smem:$0x3FAD] =	sst s2  }
0xb: {  	[smem:$0x3FAE] =	sst s3  }
0xc: {  	[smem:$0x3FAF] =	sst s4  }
0xd: {  	[smem:$0x3FB0] =	sst s5  }
0xe: {  	[smem:$0x3FB1] =	sst s6  }
0xf: {  	[smem:$0x3FB2] =	sst s7  }
0x10: {  	[smem:$0x3FB3] =	sst s8  }
0x11: {  	[smem:$0x3FB4] =	sst s9;
	s0 =	simm.s32 @!p0 $0x0  }
0x12: {  	s1 =	sld [smem:$0x3F9A];
	s0 =	simm.s32 @p0 $0x1  }
0x13: {  	[smem:$0x3FB5] =	sst s0;
	s0 =	simm.s32 @!p1 $0x0  }
0x14: {  	s2 =	sld [smem:$0x3F99];
	s0 =	simm.s32 @p1 $0x1  }
0x15: {  	[smem:$0x3FB6] =	sst s0;
	s0 =	simm.s32 @!p2 $0x0  }
0x16: {  	s3 =	sld [smem:$0x3FDB];
	s0 =	simm.s32 @p2 $0x1  }
0x17: {  	s4 =	simm.s32 $0x1BF5;
	[smem:$0x3FB8] =	sst s0  }
0x18: {  	s0 =	sld [smem:$0x3F9B];
	_ =	swait.ge [sflag:s4], $0x0  }
0x19: {  	s7 =	sld [smem:$0x3F9C]  }
0x1a: {  	s8 =	sadd.s32 $0xFFFFE003, lr  }
0x1b: {  	s9 =	sadd.s32 $0xFFFFFEF7, lr;
	s5 =	simm.s32 $0xFFFFFFFF;
	p2 =	slt.u32 s8, $0xFFFFF086  }
0x1c: {  	p1 =	slt.u32 s9, $0xF7A;
	s5 =	simm.s32 @!p2 $0x0  }
0x1d: {  	s5 =	simm.s32 @p1 $0x1;
	p0 =	seq.s32 s7, s2  }
0x1e: {  	s7 =	smul.u32 @!p0 $0xF7A, s2;
	p2 =	seq.s32 @!p0 s5, $0x0  }
0x1f: {  	s9 =	smul.u32 $0xF7A, s1;
	s8 =	simm.s32 @!p0 $0x1BF5;
	p2 =	por !p2, p0  }
0x20: {  	[sflag:s8] =	ssyncset.s32 @!p0 $0xFFFFF086;
	s6 =	sadd.s32 @!p0 s3, s7;
	s7 =	simm.s32 @!p0 $0x108  }
0x21: {  	s3 =	sadd.s32 s3, s9;
	s6 =	sadd.s32 @!p0 $0x88, s6;
	s7 =	simm.s32 @p2 $0x1082  }
0x22: {  	[simem:s7], [sflag:s8] =	dma.local @!p0 [hbm:s6], $0xF7A  }
0x23: {  	s9 =	sor.u32 $0xD0000000, s2;
	s6 =	simm.s32 $0x108;
	_ =	swait.ge @!p0 [sflag:s8], $0x0  }
0x24: {  	s3 =	sadd.s32 $0x88, s3;
	s6 =	simm.s32 @!p1 $0x1082;
	[sflag:s4] =	ssyncset.s32 $0xFFFFF086  }
0x25: {  	[simem:s6], [sflag:s4] =	dma.local [hbm:s3], $0xF7A  }
0x26: {  	[smem:$0x3F9C] =	sst s1;
	(tag) =	ssettag s2;
	_ =	strace s9  }
0x27: {  	s1 =	sld [smem:$0x3FAC]  }
0x28: {  	s2 =	sld [smem:$0x3FAD]  }
0x29: {  	s4 =	sld [smem:$0x3FAF]  }
0x2a: {  	p0 =	seq.s32 s5, $0x0;
	s5 =	sld [smem:$0x3FB0]  }
0x2b: {  	s6 =	sld [smem:$0x3FB1]  }
0x2c: {  	s7 =	sld [smem:$0x3FB2]  }
0x2d: {  	s3 =	simm.s32 $0x108;
	s8 =	sld [smem:$0x3FB3]  }
0x2e: {  	s3 =	simm.s32 @!p0 $0x1082;
	s9 =	sld [smem:$0x3FB4]  }
0x2f: {  	lr =	sadd.s32 s0, s3;
	s0 =	sld [smem:$0x3FAB]  }
0x30: {  	s3 =	sld [smem:$0x3FAE]  }
0x31: {  	[smem:$0x3FB7] =	sst s10  }
0x32: {  	s10 =	sld [smem:$0x3FB5];
	_ =	sdelay $0x3  }
0x33: {  	p0 =	seq.s32 s10, $0x1;
	s10 =	sld [smem:$0x3FB7];
	_ =	sdelay $0x3  }
0x34: {  	[smem:$0x3FB7] =	sst s10  }
0x35: {  	s10 =	sld [smem:$0x3FB6];
	_ =	sdelay $0x3  }
0x36: {  	p1 =	seq.s32 s10, $0x1;
	s10 =	sld [smem:$0x3FB7];
	_ =	sdelay $0x3  }
0x37: {  	[smem:$0x3FB7] =	sst s10  }
0x38: {  	s10 =	sld [smem:$0x3FB8]  }
0x39: {  	_ = 	snop;
	(pc) =	sbr.ind lr, $3  }
0x3a: {  	_ = 	snop  }
0x3b: {  	_ = 	snop  }
0x3c: {  	p2 =	seq.s32 s10, $0x1;
	s10 =	sld [smem:$0x3FB7]  }
0x3d: {  	_ =	shalt  }
0x3e: {  	_ =	shalt  }
0x3f: {  	_ =	shalt  }
0x40: {  	_ =	shalt  }
0x41: {  	_ =	shalt  }
0x42: {  	_ =	shalt  }
0x43: {  	_ =	shalt  }
0x44: {  	_ =	shalt  }
0x45: {  	_ =	shalt  }
0x46: {  	_ =	shalt  }
0x47: {  	_ =	shalt  }
0x48: {  	_ =	shalt  }
0x49: {  	_ =	shalt  }
0x4a: {  	_ =	shalt  }
0x4b: {  	_ =	shalt  }
0x4c: {  	_ =	shalt  }
0x4d: {  	_ =	shalt  }
0x4e: {  	_ =	shalt  }
0x4f: {  	_ =	shalt  }
0x50: {  	_ =	shalt  }
0x51: {  	_ =	shalt  }
0x52: {  	_ =	shalt  }
0x53: {  	_ =	shalt  }
0x54: {  	_ =	shalt  }
0x55: {  	_ =	shalt  }
0x56: {  	_ =	shalt  }
0x57: {  	_ =	shalt  }
0x58: {  	_ =	shalt  }
0x59: {  	_ =	shalt  }
0x5a: {  	_ =	shalt  }
0x5b: {  	_ =	shalt  }
0x5c: {  	_ =	shalt  }
0x5d: {  	_ =	shalt  }
0x5e: {  	_ =	shalt  }
0x5f: {  	_ =	shalt  }
0x60: {  	_ =	shalt  }
0x61: {  	_ =	shalt  }
0x62: {  	_ =	shalt  }
0x63: {  	_ =	shalt  }
0x64: {  	_ =	shalt  }
0x65: {  	_ =	shalt  }
0x66: {  	_ =	shalt  }
0x67: {  	_ =	shalt  }
0x68: {  	_ =	shalt  }
0x69: {  	_ =	shalt  }
0x6a: {  	_ =	shalt  }
0x6b: {  	_ =	shalt  }
0x6c: {  	_ =	shalt  }
0x6d: {  	_ =	shalt  }
0x6e: {  	_ =	shalt  }
0x6f: {  	_ =	shalt  }
0x70: {  	_ =	shalt  }
0x71: {  	_ =	shalt  }
0x72: {  	_ =	shalt  }
0x73: {  	_ =	shalt  }
0x74: {  	_ =	shalt  }
0x75: {  	_ =	shalt  }
0x76: {  	_ =	shalt  }
0x77: {  	_ =	shalt  }
0x78: {  	_ =	shalt  }
0x79: {  	_ =	shalt  }
0x7a: {  	_ =	shalt  }
0x7b: {  	_ =	shalt  }
0x7c: {  	_ =	shalt  }
0x7d: {  	_ =	shalt  }
0x7e: {  	_ =	shalt  }
0x7f: {  	_ =	shalt  }
0x80: {  	_ =	shalt  }
0x81: {  	_ =	shalt  }
0x82: {  	_ =	shalt  }
0x83: {  	_ =	shalt  }
0x84: {  	_ =	shalt  }
0x85: {  	_ =	shalt  }
0x86: {  	_ =	shalt  }
0x87: {  	_ =	shalt  }
.Lfunc_end0:
.L_simem_size_0:
called_computation_lowered:
.L_overlay_start_0:
0x88: {  	s2 =	sld [smem:$0x3FD9]  }
0x89: {  	s3 =	sld [smem:$0x3FFE];
	_ =	sdelay $0x1  }
0x8a: {  	s1 =	srdreg.scid  }
0x8b: {  	s0 =	sand.u32 $0x1, s1  }
0x8c: {  	s17 =	sshll.u32 s0, $0xA;
	s2 =	sadd.s32 s3, s2  }
0x8d: {  	s2 =	sadd.s32 s2, s17  }
0x8e: {  	[smem:$0x3FC3] =	sst s2  }
0x8f: {  	_ = 	snop  }
0x90: {  	s2 =	sld [smem:$0x3FC8]  }
0x91: {  	s18 =	sld [smem:$0x3FC7]  }
0x92: {  	s4 =	sld [smem:$0x3FC6]  }
0x93: {  	s5 =	sld [smem:$0x3FC5]  }
0x94: {  	s6 =	sld [smem:$0x3FD0];
	(tm) =	ssettm $0x1  }
0x95: {  	s7 =	sld [smem:$0x3FFB];
	_ =	sdelay $0x3  }
0x96: {  	_ =	strace s7  }
0x97: {  	s7 =	sld [smem:$0x3FFC];
	_ =	sdelay $0x3  }
0x98: {  	_ =	strace s7  }
0x99: {  	s7 =	sld [smem:$0x3FFD];
	_ =	sdelay $0x3  }
0x9a: {  	_ =	strace s7  }
0x9b: {  	_ =	strace $0x8FFFFFFF  }
0x9c: {  	s19 =	sld [smem:$0x3FDB];
	_ =	sdelay $0x1  }
0x9d: {  	s8 =	simm.s32 $_scs_section_size  }
0x9e: {  	s9 =	simm.s32 $_size__tile_overlayer_lowered;
	s10 =	simm.s32 $_tile_overlayer_lowered  }
0x9f: {  	s22 =	simm.s32 $0x1BFF;
	s21 =	sshll.u32 s10, $0x1;
	s7 =	sadd.s32 s8, s19  }
0xa0: {  	s11 =	simm.s32 $0x0;
	s20 =	sshll.u32 s9, $0x1;
	s9 =	sadd.s32 s21, s7  }
0xa1: {  	[timem:s11], [sflag:s22] =	dma.local [hbm:s9], s20  }
0xa2: {  	_ =	swait.ge [sflag:s22], s20  }
0xa3: {  	s8 =	ssub.s32 $0x0, s20;
	[sflag:s22] =	ssyncset.done $0x0  }
0xa4: {  	[sflag:s22] =	ssyncadd.s32 s8;
	_ =	sdelay $0x1  }
0xa5: {  	s23 =	simm.s32 $0x1B8B  }
0xa6: {  	_ =	swait.ge [sflag:s23], $0x1  }
0xa7: {  	[sflag:s23] =	ssyncset.done $0x0  }
0xa8: {  	s25 =	simm.s32 $0x1B8E;
	s24 =	sld [smem:$0x3FFE];
	[sflag:s23] =	ssyncadd.s32 $0xFFFFFFFF  }
0xa9: {  	s26 =	simm.s32 $execute0_lowered;
	[smem:$0x3FD2] =	sst s25  }
0xaa: {  	s9 =	sshll.u32 s26, $0x1;
	_ =	strace $0x80000046;
	[dreg:$0x1] =	wrdreg $0xFFFFFFFF  }
0xab: {  	s28 =	simm.s32 $_size_execute0_lowered;
	s7 =	sadd.s32 s7, s9;
	[dreg:$0x0] =	wrdreg $0x0  }
0xac: {  	s9 =	sshll.u32 s28, $0x1;
	[dreg:$0x2] =	wrdreg s7  }
0xad: {  	[dreg:$0x3] =	wrdreg s9  }
0xae: {  	[dreg:$0x4] =	wrdreg $0xC0  }
0xaf: {  	_ =	task [dreg:s11], $0x5FFFF  }
0xb0: {  	[dreg:$0x1] =	wrdreg $0xFFFFFFFF  }
0xb1: {  	[dreg:$0x0] =	wrdreg $0x60  }
0xb2: {  	[dreg:$0x2] =	wrdreg s24  }
0xb3: {  	[dreg:$0x3] =	wrdreg s6  }
0xb4: {  	[dreg:$0x4] =	wrdreg s2  }
0xb5: {  	[dreg:$0x5] =	wrdreg s4  }
0xb6: {  	[dreg:$0x6] =	wrdreg s18  }
0xb7: {  	[dreg:$0x7] =	wrdreg s5  }
0xb8: {  	[dreg:$0x8] =	wrdreg $0x9  }
0xb9: {  	_ =	task.clear_ibuf [dreg:s11], $0x9FFFF;
	_ =	strace $0x90000046  }
0xba: {  	s29 =	simm.s32 $0x9;
	_ =	strace $0x80000048  }
0xbb: {  	_ =	swait.ge [sflag:s29], $0x1  }
0xbc: {  	[sflag:s29] =	ssyncadd.s32 $0xFFFFFFFF  }
0xbd: {  	_ =	strace $0x90000048  }
0xbe: {  	_ =	sfence  }
0xbf: {  	s30 =	sld [smem:$0x0];
	_ =	sdelay $0x2  }
0xc0: {  	s31 =	sshll.u32 s1, $0xD;
	s1 =	sshrl.u32 s1, $0x2  }
0xc1: {  	s3 =	sand.u32 $0x4000, s31;
	s1 =	sadd.s32 s1, s30  }
0xc2: {  	s0 =	sor.u32 s3, s0;
	s1 =	sshll.u32 s1, $0x11  }
0xc3: {  	s0 =	sor.u32 s1, s0  }
0xc4: {  	s0 =	sadd.s32 $0x8F2B, s0  }
0xc5: {  	[sflag:s0] =	ssyncadd.remote.s32 $0x1  }
0xc6: {  	_ =	sfence.sel $0xFFFF  }
0xc7: {  	[dreg:$0x0] =	wrdreg $0xFFFFFFFF;
	(pc) =	sbr.abs _section_cstart, $3  }
0xc8: {  	[dreg:$0x1] =	wrdreg $0xFFFFFFFF  }
0xc9: {  	_ =	task.clear_ibuf [dreg:s11], $0x2FFFF;
	_ =	strace $0x9FFFFFFF  }
0xca: {  	(tm) =	ssettm $0x7FFFFFFF  }
0xcb: {  	_ =	shalt  }
tec
execute0_lowered:
.L_overlay_start_1:
0x0: {  	(tag) =	ssettag $0x1  }
0x1: {  	s0 =	rddreg [dreg:$0x0]  }
0x2: {  	s4 =	rddreg [dreg:$0x1]  }
0x3: {  	s1 =	rddreg [dreg:$0x2]  }
0x4: {  	s2 =	rddreg [dreg:$0x3]  }
0x5: {  	s3 =	rddreg [dreg:$0x4]  }
0x6: {  	s5 =	rddreg [dreg:$0x5];
	s13 =	simm.s32 $0x0  }
0x7: {  	s6 =	srdreg.scid;
	s7 =	stileid.u32;
	s28 =	simm.s32 $0x500  }
0x8: {  	s29 =	simm.s32 $0x8500;
	s21 =	simm.s32 $0x4500;
	s18 =	simm.s32 $0x10680  }
0x9: {  	s19 =	simm.s32 $0x10880;
	s15 =	simm.s32 $0x10900;
	s20 =	simm.s32 $0xB  }
0xa: {  	s12 =	simm.s32 $0x0;
	s6 =	sand.u32 $0x1, s6;
	s7 =	sshll.u32 s7, $0x1  }
0xb: {  	[smem:$0x7FF] =	sst s13;
	s8 =	sadd.s32 $0xE00, s0;
	s7 =	sor.u32 s6, s7  }
0xc: {  	_ =	strace $0x80000047;
	s6 =	ssub.s32 $0x2, s6;
	s9 =	sshll.u32 s7, $0x4  }
0xd: {  	s7 =	sshll.u32 s7, $0x6;
	s10 =	sshrl.u32 s6, $0x1;
	s9 =	sadd.s32 s9, s0  }
0xe: {  	s0 =	sadd.s32 s7, s0;
	s6 =	ssub.s32 s6, s10;
	s11 =	sadd.s32 s8, s7  }
0xf: {  	s22 =	sor.u32 $0x10, s7;
	s23 =	sadd.s32 s4, s7;
	[dreg:$0x7] =	wrdreg s11  }
0x10: {  	s25 =	sor.u32 $0x20, s7;
	[dreg:$0x8] =	wrdreg s23;
	s24 =	sadd.s32 s8, s22  }
0x11: {  	s7 =	sor.u32 $0x30, s7;
	s10 =	sadd.s32 s4, s22;
	[dreg:$0x9] =	wrdreg s24  }
0x12: {  	s26 =	sadd.s32 s8, s25;
	s8 =	sadd.s32 s8, s7;
	[dreg:$0xa] =	wrdreg s10  }
0x13: {  	s30 =	sadd.s32 $0x1E00, s9;
	s0 =	sadd.s32 $0x1600, s0;
	[dreg:$0xb] =	wrdreg s26  }
0x14: {  	s31 =	smax.u32 s6, $0x1;
	s11 =	simm.s32 $0x11;
	[dreg:$0xd] =	wrdreg s8  }
0x15: {  	s22 =	simm.s32 $0xC500;
	s23 =	simm.s32 $0xF;
	[dreg:$0xf] =	wrdreg s30  }
.Ltmp0:
0x16: {  	s9 =	simm.s32 $0x8;
	[dreg:$0x10] =	wrdreg s0;
	(pc) =	sbr.rel .LBB2_1-.Ltmp0, $4  }
0x17: {  	v0 =	vlaneseq.u32;
	s10 =	sadd.s32 s4, s25;
	s4 =	sadd.s32 s4, s7;
	[dreg:$0x11] =	wrdreg s31  }
0x18: {  	v0 =	vmul.u32 $0x80, v0;
	s0 =	simm.s32 $0x2500;
	s7 =	simm.s32 $0x6500;
	s8 =	simm.s32 $0xE500  }
0x19: {  	s24 =	simm.s32 $0x4;
	s26 =	simm.s32 $0x10;
	[dreg:$0xc] =	wrdreg s10  }
0x1a: {  	v1 =	vor.u32 $0x800, v0;
	v2 =	vor.u32 $0x1000, v0;
	v3 =	vor.u32 $0x1800, v0;
	[dreg:$0xe] =	wrdreg s4;
	s4 =	simm.s32 $0xA500;
	s10 =	simm.s32 $0xC  }
.LBB2_4:
0x1b: {  	v6 =	vadd.f32 v6, v7;
	v4 =	vadd.f32 v4, v5;
	_ =	sdelay $0x1  }
0x1c: {  	v4 =	vadd.f32 v4, v6;
	_ =	sdelay $0x1  }
0x1d: {  	s13 =	simm.s32 $0x0;
	s6 =	rddreg [dreg:$0xf];
	s11 =	simm.s32 $0x10B00;
	[tilespmem:$0x10B00] =	vst v4  }
0x1e: {  	[hbm4b:s6+s13] =	stream.linear.scatter [tilespmem:s11], [sflag:$0x11], $0x80, $0x38;
	[tilespmem:$0x10B80] =	vst v63  }
0x1f: {  	s11 =	simm.s32 $0x11  }
0x20: {  	_ =	swait.ge [sflag:s11], $0x80  }
0x21: {  	[sflag:s11] =	ssyncset.done $0x0  }
0x22: {  	s30 =	rddreg [dreg:$0x10];
	[sflag:s11] =	ssyncadd.s32 $0xFFFFFF80  }
0x23: {  	[hbm4b:s30+s13] =	stream.linear.scatter [tilespmem:s15], [sflag:$0x11], $0x200, $0x38;
	[tilespmem:$0x10B80] =	vst v63  }
0x24: {  	_ =	swait.ge [sflag:s11], $0x200  }
0x25: {  	s12 =	rddreg [dreg:$0x12]  }
0x26: {  	s31 =	rddreg [dreg:$0x11];
	s12 =	sadd.s32 $0x1, s12  }
0x27: {  	p0 =	sne.s32 s12, s31  }
.Ltmp1:
0x28: {  	_ = 	snop;
	(pc) =	sbr.rel @!p0 .LBB2_5-.Ltmp1, $3  }
0x29: {  	_ =	sdelay $0x1  }
0x2a: {  	[sflag:s11] =	ssyncset.done $0x0  }
0x2b: {  	[sflag:s11] =	ssyncadd.s32 $0xFFFFFE00  }
.LBB2_1:
0x2c: {  	[dreg:$0x12] =	wrdreg s12  }
0x2d: {  	s6 =	rddreg [dreg:$0x7]  }
0x2e: {  	[tilespmem:s13], [sflag:$0x11] =	stream.linear.gather [hbm4b:s6+s13], $0x80, $0x38;
	[tilespmem:$0x10B80] =	vst v63  }
0x2f: {  	_ =	swait.ge [sflag:s11], $0x80  }
0x30: {  	[sflag:s11] =	ssyncset.done $0x0  }
0x31: {  	s30 =	simm.s32 $0x280;
	s25 =	rddreg [dreg:$0x8];
	[sflag:s11] =	ssyncadd.s32 $0xFFFFFF80  }
0x32: {  	[tilespmem:s30], [sflag:$0x11] =	stream.linear.gather [hbm4b:s25+s13], $0x80, $0x38;
	[tilespmem:$0x10B80] =	vst v63  }
0x33: {  	_ =	swait.ge [sflag:s11], $0x80  }
0x34: {  	[sflag:s11] =	ssyncset.done $0x0  }
0x35: {  	s14 =	simm.s32 $0x80;
	s12 =	rddreg [dreg:$0x9];
	[sflag:s11] =	ssyncadd.s32 $0xFFFFFF80  }
0x36: {  	[tilespmem:s14], [sflag:$0x11] =	stream.linear.gather [hbm4b:s12+s13], $0x80, $0x38;
	[tilespmem:$0x10B80] =	vst v63  }
0x37: {  	_ =	swait.ge [sflag:s11], $0x80  }
0x38: {  	[sflag:s11] =	ssyncset.done $0x0  }
0x39: {  	s17 =	simm.s32 $0x300;
	s16 =	rddreg [dreg:$0xa];
	[sflag:s11] =	ssyncadd.s32 $0xFFFFFF80  }
0x3a: {  	[tilespmem:s17], [sflag:$0x11] =	stream.linear.gather [hbm4b:s16+s13], $0x80, $0x38;
	[tilespmem:$0x10B80] =	vst v63  }
0x3b: {  	_ =	swait.ge [sflag:s11], $0x80  }
0x3c: {  	[sflag:s11] =	ssyncset.done $0x0  }
0x3d: {  	s30 =	simm.s32 $0x100;
	s25 =	rddreg [dreg:$0xb];
	[sflag:s11] =	ssyncadd.s32 $0xFFFFFF80  }
0x3e: {  	[tilespmem:s30], [sflag:$0x11] =	stream.linear.gather [hbm4b:s25+s13], $0x80, $0x38;
	[tilespmem:$0x10B80] =	vst v63  }
0x3f: {  	_ =	swait.ge [sflag:s11], $0x80  }
0x40: {  	[sflag:s11] =	ssyncset.done $0x0  }
0x41: {  	s16 =	simm.s32 $0x380;
	s14 =	rddreg [dreg:$0xc];
	[sflag:s11] =	ssyncadd.s32 $0xFFFFFF80  }
0x42: {  	[tilespmem:s16], [sflag:$0x11] =	stream.linear.gather [hbm4b:s14+s13], $0x80, $0x38;
	[tilespmem:$0x10B80] =	vst v63  }
0x43: {  	_ =	swait.ge [sflag:s11], $0x80  }
0x44: {  	[sflag:s11] =	ssyncset.done $0x0  }
0x45: {  	s25 =	simm.s32 $0x180;
	s17 =	rddreg [dreg:$0xd];
	[sflag:s11] =	ssyncadd.s32 $0xFFFFFF80  }
0x46: {  	[tilespmem:s25], [sflag:$0x11] =	stream.linear.gather [hbm4b:s17+s13], $0x80, $0x38;
	[tilespmem:$0x10B80] =	vst v63  }
0x47: {  	_ =	swait.ge [sflag:s11], $0x80  }
0x48: {  	[sflag:s11] =	ssyncset.done $0x0  }
0x49: {  	s14 =	simm.s32 $0x400;
	s30 =	rddreg [dreg:$0xe];
	[sflag:s11] =	ssyncadd.s32 $0xFFFFFF80  }
0x4a: {  	[tilespmem:s14], [sflag:$0x11] =	stream.linear.gather [hbm4b:s30+s13], $0x80, $0x38;
	[tilespmem:$0x10B80] =	vst v63  }
0x4b: {  	_ =	swait.ge [sflag:s11], $0x80  }
0x4c: {  	[sflag:s11] =	ssyncset.done $0x0  }
0x4d: {  	[sflag:s11] =	ssyncadd.s32 $0xFFFFFF80  }
0x4e: {  	v4 =	vld [tilespmem:$0x0]  }
0x4f: {  	v5 =	vld [tilespmem:$0x280];
	_ =	sdelay $0x3  }
0x50: {  	(v2sf) =	vpush v4, $0x0  }
0x51: {  	(v2sf) =	vpush v5, $0x0;
	_ =	sdelay $0xd  }
0x52: {  	s12 =	spop (v2sf)  }
0x53: {  	s16 =	sand.u32 $0x1FFFFF80, s12;
	s17 =	spop (v2sf);
	s6 =	sshrl.u32 s12, $0x3  }
0x54: {  	s11 =	sadd.s32 s1, s16;
	s16 =	simm.s32 $0x7A1400;
	s25 =	sand.u32 $0x1FFFFF80, s17  }
0x55: {  	[tilespmem:s28], [sflag:$0x1] =	stream.strided.gather [hbm4b:s11+s14], $0x2000, s16, s14, $0x38;
	[tilespmem:$0x10B80] =	vst v63  }
0x56: {  	s6 =	sand.u32 $0x1FFFFFF0, s6;
	s11 =	sadd.s32 s2, s25  }
0x57: {  	[tilespmem:s29], [sflag:$0x5] =	stream.strided.gather [hbm4b:s11+s14], $0x2000, s16, s14, $0x38;
	[tilespmem:$0x10B80] =	vst v63  }
0x58: {  	s30 =	simm.s32 $0x10500;
	s17 =	sshrl.u32 s17, $0x3;
	s6 =	sadd.s32 s3, s6  }
0x59: {  	[tilespmem:s30], [sflag:$0x9] =	stream.linear.gather [hbm4b:s6+s13], $0x80, $0x38;
	[tilespmem:$0x10B80] =	vst v63  }
0x5a: {  	s6 =	sand.u32 $0x1FFFFFF0, s17  }
0x5b: {  	s25 =	simm.s32 $0x10700;
	s6 =	sadd.s32 s5, s6  }
0x5c: {  	[tilespmem:s25], [sflag:$0xD] =	stream.linear.gather [hbm4b:s6+s13], $0x80, $0x38;
	[tilespmem:$0x10B80] =	vst v63  }
0x5d: {  	v4 =	vld [tilespmem:$0x1]  }
0x5e: {  	v5 =	vld [tilespmem:$0x281];
	_ =	sdelay $0x3  }
0x5f: {  	(v2sf) =	vpush v4, $0x0  }
0x60: {  	(v2sf) =	vpush v5, $0x0;
	_ =	sdelay $0xd  }
0x61: {  	s30 =	spop (v2sf)  }
0x62: {  	s12 =	sand.u32 $0x1FFFFF80, s30;
	s17 =	spop (v2sf)  }
0x63: {  	s6 =	sshrl.u32 s30, $0x3;
	s11 =	sadd.s32 s1, s12;
	s25 =	sand.u32 $0x1FFFFF80, s17  }
0x64: {  	[tilespmem:s0], [sflag:$0x2] =	stream.strided.gather [hbm4b:s11+s14], $0x2000, s16, s14, $0x38;
	[tilespmem:$0x10B80] =	vst v63  }
0x65: {  	s6 =	sand.u32 $0x1FFFFFF0, s6;
	s11 =	sadd.s32 s2, s25  }
0x66: {  	[tilespmem:s4], [sflag:$0x6] =	stream.strided.gather [hbm4b:s11+s14], $0x2000, s16, s14, $0x38;
	[tilespmem:$0x10B80] =	vst v63  }
0x67: {  	s30 =	simm.s32 $0x10580;
	s17 =	sshrl.u32 s17, $0x3;
	s6 =	sadd.s32 s3, s6  }
0x68: {  	[tilespmem:s30], [sflag:$0xA] =	stream.linear.gather [hbm4b:s6+s13], $0x80, $0x38;
	[tilespmem:$0x10B80] =	vst v63  }
0x69: {  	s6 =	sand.u32 $0x1FFFFFF0, s17  }
0x6a: {  	s25 =	simm.s32 $0x10780;
	s6 =	sadd.s32 s5, s6  }
0x6b: {  	[tilespmem:s25], [sflag:$0xE] =	stream.linear.gather [hbm4b:s6+s13], $0x80, $0x38;
	[tilespmem:$0x10B80] =	vst v63  }
0x6c: {  	v4 =	vld [tilespmem:$0x2]  }
0x6d: {  	v5 =	vld [tilespmem:$0x282];
	_ =	sdelay $0x3  }
0x6e: {  	(v2sf) =	vpush v4, $0x0  }
0x6f: {  	(v2sf) =	vpush v5, $0x0;
	_ =	sdelay $0xd  }
0x70: {  	s30 =	spop (v2sf)  }
0x71: {  	s12 =	sand.u32 $0x1FFFFF80, s30;
	s17 =	spop (v2sf)  }
0x72: {  	s6 =	sshrl.u32 s30, $0x3;
	s11 =	sadd.s32 s1, s12;
	s25 =	sand.u32 $0x1FFFFF80, s17  }
0x73: {  	[tilespmem:s21], [sflag:$0x3] =	stream.strided.gather [hbm4b:s11+s14], $0x2000, s16, s14, $0x38;
	[tilespmem:$0x10B80] =	vst v63  }
0x74: {  	s6 =	sand.u32 $0x1FFFFFF0, s6;
	s11 =	sadd.s32 s2, s25  }
0x75: {  	[tilespmem:s22], [sflag:$0x7] =	stream.strided.gather [hbm4b:s11+s14], $0x2000, s16, s14, $0x38;
	[tilespmem:$0x10B80] =	vst v63  }
0x76: {  	s30 =	simm.s32 $0x10600;
	s17 =	sshrl.u32 s17, $0x3;
	s6 =	sadd.s32 s3, s6  }
0x77: {  	[tilespmem:s30], [sflag:$0xB] =	stream.linear.gather [hbm4b:s6+s13], $0x80, $0x38;
	[tilespmem:$0x10B80] =	vst v63  }
0x78: {  	s6 =	sand.u32 $0x1FFFFFF0, s17  }
0x79: {  	s25 =	simm.s32 $0x10800;
	s6 =	sadd.s32 s5, s6  }
0x7a: {  	[tilespmem:s25], [sflag:$0xF] =	stream.linear.gather [hbm4b:s6+s13], $0x80, $0x38;
	[tilespmem:$0x10B80] =	vst v63  }
0x7b: {  	v4 =	vld [tilespmem:$0x3]  }
0x7c: {  	v5 =	vld [tilespmem:$0x283];
	_ =	sdelay $0x3  }
0x7d: {  	(v2sf) =	vpush v4, $0x0  }
0x7e: {  	(v2sf) =	vpush v5, $0x0;
	_ =	sdelay $0xd  }
0x7f: {  	s30 =	spop (v2sf)  }
0x80: {  	s12 =	sand.u32 $0x1FFFFF80, s30;
	s17 =	spop (v2sf)  }
0x81: {  	s6 =	sshrl.u32 s30, $0x3;
	s11 =	sadd.s32 s1, s12;
	s25 =	sand.u32 $0x1FFFFF80, s17  }
0x82: {  	[tilespmem:s7], [sflag:$0x4] =	stream.strided.gather [hbm4b:s11+s14], $0x2000, s16, s14, $0x38;
	[tilespmem:$0x10B80] =	vst v63  }
0x83: {  	s6 =	sand.u32 $0x1FFFFFF0, s6;
	s11 =	sadd.s32 s2, s25  }
0x84: {  	[tilespmem:s8], [sflag:$0x8] =	stream.strided.gather [hbm4b:s11+s14], $0x2000, s16, s14, $0x38;
	[tilespmem:$0x10B80] =	vst v63  }
0x85: {  	s30 =	sshrl.u32 s17, $0x3;
	s6 =	sadd.s32 s3, s6  }
0x86: {  	[tilespmem:s18], [sflag:$0xC] =	stream.linear.gather [hbm4b:s6+s13], $0x80, $0x38;
	[tilespmem:$0x10B80] =	vst v63  }
0x87: {  	s6 =	sand.u32 $0x1FFFFFF0, s30  }
0x88: {  	s31 =	simm.s32 $0x10680;
	s25 =	simm.s32 $0x284;
	s6 =	sadd.s32 s5, s6  }
0x89: {  	v6 =	vimm.f32 $0.0e+00;
	[tilespmem:s19], [sflag:$0x10] =	stream.linear.gather [hbm4b:s6+s13], $0x80, $0x38;
	[tilespmem:$0x10B80] =	vst v63  }
0x8a: {  	v7 =	vimm.f32 $0.0e+00;
	v4 =	vimm.f32 $0.0e+00;
	v5 =	vimm.f32 $0.0e+00;
	s11 =	simm.s32 $0x3;
	s6 =	simm.s32 $0x4;
	s19 =	simm.s32 $0x10880  }
.LBB2_2:
0x8b: {  	s12 =	simm.s32 $0x1  }
0x8c: {  	_ =	swait.ge [sflag:s12], $0x2000  }
0x8d: {  	[sflag:s12] =	ssyncset.done $0x0  }
0x8e: {  	s13 =	simm.s32 $0x5;
	[sflag:s12] =	ssyncadd.s32 $0xFFFFE000  }
0x8f: {  	_ =	swait.ge [sflag:s13], $0x2000  }
0x90: {  	[sflag:s13] =	ssyncset.done $0x0  }
0x91: {  	s14 =	simm.s32 $0x9;
	[sflag:s13] =	ssyncadd.s32 $0xFFFFE000  }
0x92: {  	_ =	swait.ge [sflag:s14], $0x80  }
0x93: {  	[sflag:s14] =	ssyncset.done $0x0  }
0x94: {  	s16 =	simm.s32 $0xD;
	[sflag:s14] =	ssyncadd.s32 $0xFFFFFF80  }
0x95: {  	_ =	swait.ge [sflag:s16], $0x80  }
0x96: {  	[sflag:s16] =	ssyncset.done $0x0  }
0x97: {  	[sflag:s16] =	ssyncadd.s32 $0xFFFFFF80  }
0x98: {  	v8 =	vld [tilespmem:s6+$0xFFFFFFFC];
	_ =	sdelay $0x1  }
0x99: {  	v9 =	vld [tilespmem:s25+$0xFFFFFFFC];
	_ =	sdelay $0x2  }
0x9a: {  	(v2sf) =	vpush v8, $0x0;
	_ =	sdelay $0x1  }
0x9b: {  	(v2sf) =	vpush v9, $0x0;
	_ =	sdelay $0xc  }
0x9c: {  	s17 =	spop (v2sf)  }
0x9d: {  	s12 =	sand.u32 $0x7F, s17  }
0x9e: {  	s13 =	spop (v2sf);
	v8 =	vor.u32 s12, v0  }
0x9f: {  	s13 =	sand.u32 $0x7F, s13;
	v10 =	vmov s12  }
0xa0: {  	v11 =	vmov s13  }
0xa1: {  	v12 =	vor.u32 s12, v1  }
0xa2: {  	v14 =	vor.u32 s12, v2  }
0xa3: {  	s14 =	sadd.s32 $0xFFFFFFFD, s11;
	s16 =	simm.s32 $0x10500;
	v40 =	vor.u32 s13, v0;
	v8 =	vld.idx.msk [tilespmem:v8+s28+$0x0], $0xffff  }
0xa4: {  	s18 =	simm.s32 $0x10700;
	v41 =	vmov s14;
	v13 =	vor.u32 s13, v1;
	v17 =	vld.idx.msk [tilespmem:v10+s16+$0x0], $0xffff  }
0xa5: {  	v42 =	vand.u32 $0xFFFFFFFC, v41;
	v16 =	vor.u32 s13, v2;
	v19 =	vld.idx.msk [tilespmem:v11+s18+$0x0], $0xffff  }
0xa6: {  	v21 =	vbroadcast v42, $0x0;
	v18 =	vor.u32 s12, v3;
	v10 =	vld.idx.msk [tilespmem:v12+s28+$0x0], $0xffff  }
0xa7: {  	v20 =	vor.u32 s13, v3;
	v12 =	vld.idx.msk [tilespmem:v14+s28+$0x0], $0xffff  }
0xa8: {  	v9 =	vld.idx.msk [tilespmem:v40+s29+$0x0], $0xffff  }
0xa9: {  	v15 =	vld.idx.msk [tilespmem:v13+s29+$0x0], $0xffff  }
0xaa: {  	v13 =	vld.idx.msk [tilespmem:v16+s29+$0x0], $0xffff;
	v43 =	vadd.f32 v19, v17  }
0xab: {  	v11 =	vld.idx.msk [tilespmem:v18+s28+$0x0], $0xffff  }
0xac: {  	p0 =	seq.s32 s11, $0x1FF;
	v14 =	vld.idx.msk [tilespmem:v20+s29+$0x0], $0xffff;
	[tilespmem:v21+s15+$0x0] =	vst.idx.msk $0xffff, v43  }
0xad: {  	v16 =	vld @!p0 [tilespmem:s6+$0x0]  }
0xae: {  	v17 =	vld @!p0 [tilespmem:s25+$0x0];
	_ =	sdelay $0x3  }
0xaf: {  	(v2sf) =	vpush @!p0 v16, $0x0  }
0xb0: {  	(v2sf) =	vpush @!p0 v17, $0x0;
	_ =	sdelay $0xd  }
0xb1: {  	s13 =	simm.s32 @!p0 $0x7A1400;
	s14 =	spop @!p0 (v2sf)  }
0xb2: {  	s18 =	simm.s32 @!p0 $0x500;
	s12 =	sand.u32 @!p0 $0x1FFFFF80, s14;
	s16 =	spop @!p0 (v2sf)  }
0xb3: {  	s14 =	sshrl.u32 @!p0 s14, $0x3;
	s17 =	sadd.s32 @!p0 s1, s12;
	s12 =	simm.s32 @!p0 $0x400  }
0xb4: {  	[tilespmem:s18], [sflag:$0x1] =	stream.strided.gather @!p0 [hbm4b:s17+s12], $0x2000, s13, s12, $0x38;
	[tilespmem:$0x10B80] =	vst v63  }
0xb5: {  	s14 =	sand.u32 @!p0 $0x1FFFFFF0, s14;
	s17 =	sand.u32 @!p0 $0x1FFFFF80, s16;
	s16 =	sshrl.u32 @!p0 s16, $0x3  }
0xb6: {  	s18 =	simm.s32 @!p0 $0x8500;
	s17 =	sadd.s32 @!p0 s2, s17;
	s16 =	sand.u32 @!p0 $0x1FFFFFF0, s16  }
0xb7: {  	[tilespmem:s18], [sflag:$0x5] =	stream.strided.gather @!p0 [hbm4b:s17+s12], $0x2000, s13, s12, $0x38;
	[tilespmem:$0x10B80] =	vst v63  }
0xb8: {  	s17 =	sadd.s32 @!p0 s3, s14;
	s14 =	simm.s32 @!p0 $0x0;
	s18 =	simm.s32 @!p0 $0x10500  }
0xb9: {  	[tilespmem:s18], [sflag:$0x9] =	stream.linear.gather @!p0 [hbm4b:s17+s14], $0x80, $0x38;
	[tilespmem:$0x10B80] =	vst v63  }
0xba: {  	s30 =	simm.s32 $0x2;
	s16 =	sadd.s32 @!p0 s5, s16;
	s17 =	simm.s32 @!p0 $0x10700  }
0xbb: {  	[tilespmem:s17], [sflag:$0xD] =	stream.linear.gather @!p0 [hbm4b:s16+s14], $0x80, $0x38;
	[tilespmem:$0x10B80] =	vst v63  }
0xbc: {  	_ =	swait.ge [sflag:s30], $0x2000  }
0xbd: {  	[sflag:s30] =	ssyncset.done $0x0  }
0xbe: {  	s17 =	simm.s32 $0x6;
	[sflag:s30] =	ssyncadd.s32 $0xFFFFE000  }
0xbf: {  	_ =	swait.ge [sflag:s17], $0x2000  }
0xc0: {  	[sflag:s17] =	ssyncset.done $0x0  }
0xc1: {  	s18 =	simm.s32 $0xA;
	[sflag:s17] =	ssyncadd.s32 $0xFFFFE000  }
0xc2: {  	_ =	swait.ge [sflag:s18], $0x80  }
0xc3: {  	[sflag:s18] =	ssyncset.done $0x0  }
0xc4: {  	s30 =	simm.s32 $0xE;
	[sflag:s18] =	ssyncadd.s32 $0xFFFFFF80  }
0xc5: {  	_ =	swait.ge [sflag:s30], $0x80  }
0xc6: {  	[sflag:s30] =	ssyncset.done $0x0  }
0xc7: {  	[sflag:s30] =	ssyncadd.s32 $0xFFFFFF80  }
0xc8: {  	v44 =	vld [tilespmem:s6+$0xFFFFFFFD];
	_ =	sdelay $0x1  }
0xc9: {  	v45 =	vld [tilespmem:s25+$0xFFFFFFFD];
	_ =	sdelay $0x2  }
0xca: {  	(v2sf) =	vpush v44, $0x0;
	_ =	sdelay $0x1  }
0xcb: {  	(v2sf) =	vpush v45, $0x0;
	_ =	sdelay $0xc  }
0xcc: {  	s17 =	spop (v2sf)  }
0xcd: {  	s16 =	sand.u32 $0x7F, s17  }
0xce: {  	s18 =	spop (v2sf);
	v46 =	vor.u32 s16, v0  }
0xcf: {  	s17 =	sand.u32 $0x7F, s18;
	v48 =	vmov s16  }
0xd0: {  	v49 =	vmov s17  }
0xd1: {  	v50 =	vor.u32 s16, v1  }
0xd2: {  	v22 =	vor.u32 s16, v2  }
0xd3: {  	s30 =	simm.s32 $0x10580;
	s18 =	sadd.s32 $0xFFFFFFFE, s11;
	v25 =	vor.u32 s16, v3;
	v16 =	vld.idx.msk [tilespmem:v46+s0+$0x0], $0xffff  }
0xd4: {  	v47 =	vor.u32 s17, v0;
	v52 =	vmov s18;
	v24 =	vld.idx.msk [tilespmem:v48+s30+$0x0], $0xffff;
	s30 =	simm.s32 $0x10780  }
0xd5: {  	v51 =	vor.u32 s17, v1;
	v53 =	vand.u32 $0xFFFFFFFD, v52;
	v26 =	vld.idx.msk [tilespmem:v49+s30+$0x0], $0xffff  }
0xd6: {  	v23 =	vor.u32 s17, v2;
	v28 =	vbroadcast v53, $0x0;
	v18 =	vld.idx.msk [tilespmem:v50+s0+$0x0], $0xffff  }
0xd7: {  	v27 =	vor.u32 s17, v3;
	v55 =	vld.idx.msk [tilespmem:v22+s0+$0x0], $0xffff  }
0xd8: {  	v19 =	vld.idx.msk [tilespmem:v25+s0+$0x0], $0xffff  }
0xd9: {  	v17 =	vld.idx.msk [tilespmem:v47+s4+$0x0], $0xffff  }
0xda: {  	v54 =	vld.idx.msk [tilespmem:v51+s4+$0x0], $0xffff;
	v24 =	vadd.f32 v26, v24  }
0xdb: {  	v23 =	vld.idx.msk [tilespmem:v23+s4+$0x0], $0xffff  }
0xdc: {  	v22 =	vld.idx.msk [tilespmem:v27+s4+$0x0], $0xffff;
	[tilespmem:v28+s15+$0x0] =	vst.idx.msk $0xffff, v24  }
0xdd: {  	v24 =	vld @!p0 [tilespmem:s6+$0x1];
	_ =	sdelay $0x1  }
0xde: {  	v25 =	vld @!p0 [tilespmem:s25+$0x1];
	_ =	sdelay $0x2  }
0xdf: {  	(v2sf) =	vpush @!p0 v24, $0x0;
	_ =	sdelay $0x1  }
0xe0: {  	(v2sf) =	vpush @!p0 v25, $0x0;
	_ =	sdelay $0xc  }
0xe1: {  	s16 =	spop @!p0 (v2sf)  }
0xe2: {  	s17 =	sand.u32 @!p0 $0x1FFFFF80, s16  }
0xe3: {  	s30 =	simm.s32 @!p0 $0x2500;
	s18 =	spop @!p0 (v2sf);
	s17 =	sadd.s32 @!p0 s1, s17  }
0xe4: {  	[tilespmem:s30], [sflag:$0x2] =	stream.strided.gather @!p0 [hbm4b:s17+s12], $0x2000, s13, s12, $0x38;
	[tilespmem:$0x10B80] =	vst v63  }
0xe5: {  	s16 =	sshrl.u32 @!p0 s16, $0x3;
	s17 =	sand.u32 @!p0 $0x1FFFFF80, s18  }
0xe6: {  	s16 =	sand.u32 @!p0 $0x1FFFFFF0, s16;
	s30 =	simm.s32 @!p0 $0xA500;
	s17 =	sadd.s32 @!p0 s2, s17  }
0xe7: {  	[tilespmem:s30], [sflag:$0x6] =	stream.strided.gather @!p0 [hbm4b:s17+s12], $0x2000, s13, s12, $0x38;
	[tilespmem:$0x10B80] =	vst v63  }
0xe8: {  	s16 =	sadd.s32 @!p0 s3, s16;
	s17 =	simm.s32 @!p0 $0x10580  }
0xe9: {  	[tilespmem:s17], [sflag:$0xA] =	stream.linear.gather @!p0 [hbm4b:s16+s14], $0x80, $0x38;
	[tilespmem:$0x10B80] =	vst v63  }
0xea: {  	s16 =	sshrl.u32 @!p0 s18, $0x3  }
0xeb: {  	s16 =	sand.u32 @!p0 $0x1FFFFFF0, s16  }
0xec: {  	s17 =	simm.s32 @!p0 $0x10780;
	s18 =	simm.s32 $0x3;
	s16 =	sadd.s32 @!p0 s5, s16  }
0xed: {  	[tilespmem:s17], [sflag:$0xE] =	stream.linear.gather @!p0 [hbm4b:s16+s14], $0x80, $0x38;
	[tilespmem:$0x10B80] =	vst v63  }
0xee: {  	_ =	swait.ge [sflag:s18], $0x2000  }
0xef: {  	[sflag:s18] =	ssyncset.done $0x0  }
0xf0: {  	s30 =	simm.s32 $0x7;
	[sflag:s18] =	ssyncadd.s32 $0xFFFFE000  }
0xf1: {  	_ =	swait.ge [sflag:s30], $0x2000  }
0xf2: {  	[sflag:s30] =	ssyncset.done $0x0  }
0xf3: {  	[sflag:s30] =	ssyncadd.s32 $0xFFFFE000  }
0xf4: {  	_ =	swait.ge [sflag:s20], $0x80  }
0xf5: {  	[sflag:s20] =	ssyncset.done $0x0  }
0xf6: {  	[sflag:s20] =	ssyncadd.s32 $0xFFFFFF80  }
0xf7: {  	_ =	swait.ge [sflag:s23], $0x80  }
0xf8: {  	[sflag:s23] =	ssyncset.done $0x0  }
0xf9: {  	[sflag:s23] =	ssyncadd.s32 $0xFFFFFF80  }
0xfa: {  	v56 =	vld [tilespmem:s6+$0xFFFFFFFE];
	_ =	sdelay $0x1  }
0xfb: {  	v57 =	vld [tilespmem:s25+$0xFFFFFFFE];
	_ =	sdelay $0x2  }
0xfc: {  	(v2sf) =	vpush v56, $0x0;
	_ =	sdelay $0x1  }
0xfd: {  	(v2sf) =	vpush v57, $0x0;
	_ =	sdelay $0xc  }
0xfe: {  	s17 =	spop (v2sf)  }
0xff: {  	s16 =	sand.u32 $0x7F, s17  }
0x100: {  	s18 =	spop (v2sf);
	v58 =	vor.u32 s16, v0  }
0x101: {  	s17 =	sand.u32 $0x7F, s18;
	v60 =	vmov s16  }
0x102: {  	v61 =	vmov s17  }
0x103: {  	v62 =	vor.u32 s16, v1  }
0x104: {  	v30 =	vor.u32 s16, v2  }
0x105: {  	s30 =	simm.s32 $0x10600;
	s18 =	sadd.s32 $0xFFFFFFFF, s11;
	v33 =	vor.u32 s16, v3;
	v24 =	vld.idx.msk [tilespmem:v58+s21+$0x0], $0xffff  }
0x106: {  	v59 =	vor.u32 s17, v0;
	v32 =	vmov s18;
	v26 =	vld.idx.msk [tilespmem:v60+s30+$0x0], $0xffff;
	s30 =	simm.s32 $0x10800  }
0x107: {  	v29 =	vor.u32 s17, v1;
	v32 =	vand.u32 $0xFFFFFFFE, v32;
	v27 =	vld.idx.msk [tilespmem:v61+s30+$0x0], $0xffff  }
0x108: {  	v31 =	vor.u32 s17, v2;
	v32 =	vbroadcast v32, $0x0;
	v28 =	vld.idx.msk [tilespmem:v62+s21+$0x0], $0xffff  }
0x109: {  	v34 =	vor.u32 s17, v3;
	v30 =	vld.idx.msk [tilespmem:v30+s21+$0x0], $0xffff  }
0x10a: {  	v33 =	vld.idx.msk [tilespmem:v33+s21+$0x0], $0xffff  }
0x10b: {  	v25 =	vld.idx.msk [tilespmem:v59+s22+$0x0], $0xffff  }
0x10c: {  	v29 =	vld.idx.msk [tilespmem:v29+s22+$0x0], $0xffff;
	v26 =	vadd.f32 v27, v26  }
0x10d: {  	v31 =	vld.idx.msk [tilespmem:v31+s22+$0x0], $0xffff  }
0x10e: {  	v63 =	vld.idx.msk [tilespmem:v34+s22+$0x0], $0xffff;
	[tilespmem:v32+s15+$0x0] =	vst.idx.msk $0xffff, v26  }
0x10f: {  	v26 =	vld @!p0 [tilespmem:s6+$0x2];
	_ =	sdelay $0x1  }
0x110: {  	v32 =	vld @!p0 [tilespmem:s25+$0x2];
	_ =	sdelay $0x2  }
0x111: {  	(v2sf) =	vpush @!p0 v26, $0x0;
	_ =	sdelay $0x1  }
0x112: {  	(v2sf) =	vpush @!p0 v32, $0x0;
	_ =	sdelay $0xc  }
0x113: {  	s16 =	spop @!p0 (v2sf)  }
0x114: {  	s17 =	sand.u32 @!p0 $0x1FFFFF80, s16  }
0x115: {  	s30 =	simm.s32 @!p0 $0x4500;
	s18 =	spop @!p0 (v2sf);
	s17 =	sadd.s32 @!p0 s1, s17  }
0x116: {  	[tilespmem:s30], [sflag:$0x3] =	stream.strided.gather @!p0 [hbm4b:s17+s12], $0x2000, s13, s12, $0x38;
	[tilespmem:$0x10B80] =	vst v63  }
0x117: {  	s17 =	sand.u32 @!p0 $0x1FFFFF80, s18  }
0x118: {  	s30 =	simm.s32 @!p0 $0xC500;
	s17 =	sadd.s32 @!p0 s2, s17  }
0x119: {  	[tilespmem:s30], [sflag:$0x7] =	stream.strided.gather @!p0 [hbm4b:s17+s12], $0x2000, s13, s12, $0x38;
	[tilespmem:$0x10B80] =	vst v63  }
0x11a: {  	s12 =	sshrl.u32 @!p0 s16, $0x3  }
0x11b: {  	s12 =	sand.u32 @!p0 $0x1FFFFFF0, s12  }
0x11c: {  	s13 =	simm.s32 @!p0 $0x10600;
	s12 =	sadd.s32 @!p0 s3, s12  }
0x11d: {  	[tilespmem:s13], [sflag:$0xB] =	stream.linear.gather @!p0 [hbm4b:s12+s14], $0x80, $0x38;
	[tilespmem:$0x10B80] =	vst v63  }
0x11e: {  	s12 =	sshrl.u32 @!p0 s18, $0x3  }
0x11f: {  	s12 =	sand.u32 @!p0 $0x1FFFFFF0, s12  }
0x120: {  	s13 =	simm.s32 @!p0 $0x10800;
	s12 =	sadd.s32 @!p0 s5, s12  }
0x121: {  	[tilespmem:s13], [sflag:$0xF] =	stream.linear.gather @!p0 [hbm4b:s12+s14], $0x80, $0x38;
	[tilespmem:$0x10B80] =	vst v63  }
0x122: {  	_ =	swait.ge [sflag:s24], $0x2000  }
0x123: {  	[sflag:s24] =	ssyncset.done $0x0  }
0x124: {  	[sflag:s24] =	ssyncadd.s32 $0xFFFFE000  }
0x125: {  	_ =	swait.ge [sflag:s9], $0x2000  }
0x126: {  	[sflag:s9] =	ssyncset.done $0x0  }
0x127: {  	[sflag:s9] =	ssyncadd.s32 $0xFFFFE000  }
0x128: {  	_ =	swait.ge [sflag:s10], $0x80  }
0x129: {  	[sflag:s10] =	ssyncset.done $0x0  }
0x12a: {  	[sflag:s10] =	ssyncadd.s32 $0xFFFFFF80  }
0x12b: {  	_ =	swait.ge [sflag:s26], $0x80  }
0x12c: {  	[sflag:s26] =	ssyncset.done $0x0  }
0x12d: {  	[sflag:s26] =	ssyncadd.s32 $0xFFFFFF80  }
0x12e: {  	v42 =	vld [tilespmem:s6+$0xFFFFFFFF];
	_ =	sdelay $0x4  }
0x12f: {  	v43 =	vld [tilespmem:s25+$0xFFFFFFFF];
	(v2sf) =	vpush v42, $0x0;
	_ =	sdelay $0x4  }
0x130: {  	(v2sf) =	vpush v43, $0x0;
	_ =	sdelay $0x9  }
0x131: {  	s18 =	spop (v2sf)  }
0x132: {  	s12 =	sand.u32 $0x7F, s18  }
0x133: {  	v44 =	vor.u32 s12, v0  }
0x134: {  	v46 =	vor.u32 s12, v1  }
0x135: {  	v36 =	vor.u32 s12, v2  }
0x136: {  	s30 =	spop (v2sf);
	v38 =	vor.u32 s12, v3  }
0x137: {  	s13 =	sand.u32 $0x7F, s30;
	v40 =	vmov s12  }
0x138: {  	v45 =	vor.u32 s13, v0;
	v26 =	vld.idx.msk [tilespmem:v44+s7+$0x0], $0xffff  }
0x139: {  	v35 =	vor.u32 s13, v1;
	v34 =	vld.idx.msk [tilespmem:v46+s7+$0x0], $0xffff  }
0x13a: {  	v37 =	vor.u32 s13, v2;
	v49 =	vld.idx.msk [tilespmem:v36+s7+$0x0], $0xffff  }
0x13b: {  	v8 =	vmul.f32 v9, v8;
	v39 =	vor.u32 s13, v3;
	v53 =	vld.idx.msk [tilespmem:v38+s7+$0x0], $0xffff  }
0x13c: {  	v48 =	vmov s13;
	v57 =	vld.idx.msk [tilespmem:v40+s31+$0x0], $0xffff  }
0x13d: {  	v10 =	vmul.f32 v15, v10;
	v7 =	vadd.f32 v8, v7;
	v8 =	vmul.f32 v13, v12;
	v32 =	vld.idx.msk [tilespmem:v45+s8+$0x0], $0xffff  }
0x13e: {  	v51 =	vmul.f32 v14, v11;
	v52 =	vmul.f32 v17, v16;
	v47 =	vld.idx.msk [tilespmem:v35+s8+$0x0], $0xffff  }
0x13f: {  	v6 =	vadd.f32 v10, v6;
	v5 =	vadd.f32 v8, v5;
	v8 =	vmul.f32 v54, v18;
	v50 =	vld.idx.msk [tilespmem:v37+s8+$0x0], $0xffff  }
0x140: {  	v4 =	vadd.f32 v51, v4;
	v54 =	vmul.f32 v23, v55;
	v7 =	vadd.f32 v52, v7;
	v55 =	vld.idx.msk [tilespmem:v39+s8+$0x0], $0xffff  }
0x141: {  	v6 =	vadd.f32 v8, v6;
	v56 =	vmul.f32 v22, v19;
	v8 =	vmul.f32 v25, v24;
	v58 =	vld.idx.msk [tilespmem:v48+s19+$0x0], $0xffff  }
0x142: {  	v5 =	vadd.f32 v54, v5;
	v59 =	vmul.f32 v29, v28;
	v60 =	vmul.f32 v31, v30  }
0x143: {  	v4 =	vadd.f32 v56, v4;
	v7 =	vadd.f32 v8, v7;
	v8 =	vmul.f32 v63, v33  }
0x144: {  	v61 =	vmov s11;
	v6 =	vadd.f32 v59, v6;
	v5 =	vadd.f32 v60, v5  }
.Ltmp2:
0x145: {  	v4 =	vadd.f32 v8, v4;
	v8 =	vmul.f32 v32, v26;
	v9 =	vmul.f32 v47, v34;
	(pc) =	sbr.rel @p0 .LBB2_4-.Ltmp2, $4  }
0x146: {  	v62 =	vmul.f32 v50, v49;
	v63 =	vmul.f32 v55, v53;
	v11 =	vadd.f32 v58, v57  }
0x147: {  	v7 =	vadd.f32 v8, v7;
	v6 =	vadd.f32 v9, v6  }
0x148: {  	v5 =	vadd.f32 v62, v5;
	v4 =	vadd.f32 v63, v4  }
0x149: {  	s18 =	simm.s32 $0x10680;
	s19 =	simm.s32 $0x10880;
	[tilespmem:v61+s15+$0x0] =	vst.idx.msk $0xffff, v11  }
0x14a: {  	v8 =	vld [tilespmem:s6+$0x3]  }
0x14b: {  	v9 =	vld [tilespmem:s25+$0x3];
	_ =	sdelay $0x3  }
0x14c: {  	(v2sf) =	vpush v8, $0x0  }
0x14d: {  	(v2sf) =	vpush v9, $0x0;
	_ =	sdelay $0xd  }
0x14e: {  	s16 =	simm.s32 $0x400;
	s12 =	spop (v2sf)  }
0x14f: {  	s17 =	simm.s32 $0x7A1400;
	s13 =	sand.u32 $0x1FFFFF80, s12;
	s14 =	spop (v2sf)  }
0x150: {  	s12 =	sshrl.u32 s12, $0x3;
	s13 =	sadd.s32 s1, s13;
	s30 =	sand.u32 $0x1FFFFF80, s14  }
0x151: {  	[tilespmem:s7], [sflag:$0x4] =	stream.strided.gather [hbm4b:s13+s16], $0x2000, s17, s16, $0x38;
	[tilespmem:$0x10B80] =	vst v63  }
0x152: {  	s12 =	sand.u32 $0x1FFFFFF0, s12;
	s13 =	sadd.s32 s2, s30  }
0x153: {  	[tilespmem:s8], [sflag:$0x8] =	stream.strided.gather [hbm4b:s13+s16], $0x2000, s17, s16, $0x38;
	[tilespmem:$0x10B80] =	vst v63  }
0x154: {  	s12 =	sadd.s32 s3, s12;
	s17 =	simm.s32 $0x0  }
0x155: {  	[tilespmem:s18], [sflag:$0xC] =	stream.linear.gather [hbm4b:s12+s17], $0x80, $0x38;
	[tilespmem:$0x10B80] =	vst v63  }
.Ltmp3:
0x156: {  	s30 =	sshrl.u32 s14, $0x3;
	(pc) =	sbr.rel .LBB2_2-.Ltmp3, $4  }
0x157: {  	s12 =	sand.u32 $0x1FFFFFF0, s30  }
0x158: {  	s11 =	sadd.s32 $0x4, s11;
	s25 =	sadd.s32 $0x4, s25;
	s12 =	sadd.s32 s5, s12  }
0x159: {  	[tilespmem:s19], [sflag:$0x10] =	stream.linear.gather [hbm4b:s12+s17], $0x80, $0x38;
	[tilespmem:$0x10B80] =	vst v63  }
0x15a: {  	s6 =	sadd.s32 $0x4, s6;
	s31 =	simm.s32 $0x10680;
	s19 =	simm.s32 $0x10880  }
.LBB2_5:
0x15b: {  	_ =	sfence.sel $0x180000  }
0x15c: {  	[bflag:$0x0] =	sbarrier.arrive $0xFFFF  }
0x15d: {  	_ =	strace $0x90000047  }
0x15e: {  	s0 =	stileid.u32;
	[bflag:$0x2] =	sbarrier.arrive $0xFFFF  }
0x15f: {  	p0 =	sne.s32 s0, $0x0;
	s0 =	rddreg [dreg:$0x6]  }
0x160: {  	s0 =	sadd.s32 @!p0 $0x100000, s0  }
0x161: {  	[sflag:s0] =	ssyncadd.tile.s32 @!p0 $0x1;
	_ =	shalt  }
.Lfunc_end2:
_tile_overlayer_lowered:
.L_overlay_start_2:
0x162: {  	(tag) =	ssettag $0x2  }
0x163: {  	s0 =	rddreg [dreg:$0x0];
	s2 =	stileid.u32  }
0x164: {  	s1 =	rddreg [dreg:$0x1];
	p0 =	sne.s32 s2, $0x0  }
0x165: {  	s3 =	rddreg [dreg:$0x2];
	[bflag:$0x3] =	sbarrier.arrive $0xFFFF;
	s2 =	simm.s32 @!p0 $0x1C11  }
0x166: {  	[timem:s3], [sflag:s2] =	dma.local @!p0 [hbm:s0], s1  }
0x167: {  	s0 =	simm.s32 @!p0 $0x11  }
0x168: {  	_ =	swait.ge @!p0 [sflag:s0], s1  }
0x169: {  	s1 =	ssub.s32 @!p0 $0x0, s1;
	[sflag:s0] =	ssyncset.done @!p0 $0x0  }
0x16a: {  	[sflag:s0] =	ssyncadd.s32 @!p0 s1  }
0x16b: {  	[bflag:$0x3] =	sbarrier.arrive $0xFFFF  }
0x16c: {  	_ =	shalt  }

</sc_bundles>
